<compile_context>
chip_gen: v7x
topology: tpu7x:2x2x1
jax: 0.10.2.dev20260603
libtpu: 0.0.44.dev20260713+nightly
codegen_flags: <defaults>
</compile_context>

<pallas_src>
import functools

import jax
import jax.numpy as jnp
from jax import lax
from jax.experimental import pallas as pl
from jax.experimental.pallas import tpu as pltpu
from jax.experimental.pallas import tpu_sc as plsc

MIN_RATING = 1.0
MAX_RATING = 5.0

B = 16384
D = 32
NC = 2
NS = 16
NW = NC * NS
BPW = B // NW
CHUNK = 128
L = 16
NG = BPW // L
RING = 8

_mesh = plsc.VectorSubcoreMesh(core_axis_name="c", subcore_axis_name="s")


@functools.partial(
    pl.kernel,
    out_type=jax.ShapeDtypeStruct((B,), jnp.float32),
    mesh=_mesh,
    scratch_types=[
        pltpu.VMEM((BPW,), jnp.int32),
        pltpu.VMEM((BPW,), jnp.int32),
        pltpu.VMEM((BPW,), jnp.int32),
        pltpu.VMEM((BPW,), jnp.int32),
        pltpu.VMEM((BPW,), jnp.int32),
        pltpu.SMEM((BPW,), jnp.int32),
        pltpu.SMEM((BPW,), jnp.int32),
        pltpu.VMEM((RING, D, CHUNK), jnp.float32),
        pltpu.VMEM((BPW * D,), jnp.float32),
        pltpu.VMEM((BPW, CHUNK), jnp.float32),
        pltpu.VMEM((BPW,), jnp.float32),
        pltpu.VMEM((BPW,), jnp.float32),
        pltpu.VMEM((BPW,), jnp.float32),
        pltpu.SemaphoreType.DMA((RING,)),
        pltpu.SemaphoreType.DMA,
    ],
    compiler_params=pltpu.CompilerParams(
        needs_layout_passes=False, use_tc_tiling_on_sc=True),
)
def _lmf_sc(uidx_hbm, midx_hbm, uwt_hbm, ub_hbm, mw_hbm, mb_hbm, out_hbm,
            uidx_v, midx_v, ugrp_v, ucol_v, mrow_v, ugrp_s, ucol_s,
            ubufs, urows, mw_v, ub_v, mb_v, out_v, rsem, sem):
    wid = lax.axis_index("s") * NC + lax.axis_index("c")
    base = wid * BPW

    pltpu.sync_copy(uidx_hbm.at[pl.ds(base, BPW)], uidx_v)
    pltpu.sync_copy(midx_hbm.at[pl.ds(base, BPW)], midx_v)

    def decomp(q, carry):
        sl = pl.ds(q * L, L)
        u = uidx_v[sl]
        ugrp_v[sl] = jax.lax.shift_right_logical(u, 7)
        ucol_v[sl] = u & (CHUNK - 1)
        mrow_v[sl] = jax.lax.shift_right_logical(midx_v[sl], 2)
        return carry
    lax.fori_loop(0, BPW // L, decomp, None)

    def to_smem(q, carry):
        gvec = ugrp_v[pl.ds(q * L, L)]
        cvec = ucol_v[pl.ds(q * L, L)]
        for l in range(L):
            ugrp_s[q * L + l] = gvec[l]
            ucol_s[q * L + l] = cvec[l]
        return carry
    lax.fori_loop(0, BPW // L, to_smem, None)

    copies = []
    for j in range(4):
        sl = pl.ds(j * CHUNK, CHUNK)
        copies.append(pltpu.async_copy(ub_hbm.at[uidx_v.at[sl]], ub_v.at[sl], sem))
        copies.append(pltpu.async_copy(mb_hbm.at[midx_v.at[sl]], mb_v.at[sl], sem))
        copies.append(pltpu.async_copy(mw_hbm.at[mrow_v.at[sl]],
                                       mw_v.at[pl.ds(j * CHUNK, CHUNK)], sem))

    def fire(p, slot):
        g = ugrp_s[p]
        off = pl.multiple_of(g * CHUNK, CHUNK)
        return pltpu.async_copy(uwt_hbm.at[:, pl.ds(off, CHUNK)],
                                ubufs.at[slot], rsem.at[slot])

    for p0 in range(RING):
        fire(p0, p0)

    jrow = lax.iota(jnp.int32, L)

    for c in copies:
        c.wait()

    def ring_step(p, carry):
        slot = lax.rem(p, RING)
        pltpu.make_async_copy(uwt_hbm.at[:, pl.ds(0, CHUNK)],
                              ubufs.at[slot], rsem.at[slot]).wait()
        s16 = jnp.full((L,), slot, jnp.int32)
        c16 = jnp.full((L,), ucol_s[p], jnp.int32)
        u_lo = plsc.load_gather(ubufs, [s16, jrow, c16])
        u_hi = plsc.load_gather(ubufs, [s16, jrow + L, c16])
        urows[pl.ds(p * D, L)] = u_lo
        urows[pl.ds(p * D + L, L)] = u_hi

        @pl.when(p + RING < BPW)
        def _():
            fire(p + RING, slot)

        @pl.when((p & (L - 1)) == (L - 1))
        def _():
            g = jax.lax.shift_right_logical(p, 4)
            rows = lax.iota(jnp.int32, L) + g * L
            sl = pl.ds(g * L, L)
            mcol0 = (midx_v[sl] & 3) * D
            acc = ub_v[sl] + mb_v[sl]
            for j in range(D):
                u = plsc.load_gather(urows, [rows * D + j])
                m = plsc.load_gather(mw_v, [rows, mcol0 + j])
                acc = acc + u * m
            y = 1.0 / (1.0 + jnp.exp(-acc))
            out_v[sl] = y * (MAX_RATING - MIN_RATING) + MIN_RATING
        return carry

    lax.fori_loop(0, BPW, ring_step, None)

    pltpu.sync_copy(out_v, out_hbm.at[pl.ds(base, BPW)])


def kernel(users, movies, user_weights, user_bias, movie_weights, movie_bias):
    uidx = users.reshape(-1).astype(jnp.int32)
    midx = movies.reshape(-1).astype(jnp.int32)
    mw4 = movie_weights.reshape(movie_weights.shape[0] // 4, 4 * D)
    out = _lmf_sc(uidx, midx, user_weights.T, user_bias.reshape(-1),
                  mw4, movie_bias.reshape(-1))
    return out.reshape(B, 1)

# --- scband reference (transcript-rebuilt; emitter-appended) ---
"""Pipeline reference for scband-lmf-86930138071042 (READ-ONLY COPY).

The authoritative reference and input builder live on the scoring server;
editing this copy changes nothing except your own understanding.
"""

import jax, jax.numpy as jnp
import numpy as np

NUM_USERS = 1000000
NUM_MOVIES = 100000
NUM_LATENT = 32
MIN_RATING = 1.0
MAX_RATING = 5.0
BATCH = 16384


def setup_inputs(seed: int = 0) -> dict:
    key = jax.random.key(seed)
    k1, k2, k3, k4, k5, k6 = jax.random.split(key, 6)
    users = jax.random.randint(k1, (BATCH, 1), 0, NUM_USERS, dtype=jnp.int32).astype(jnp.int64)
    movies = jax.random.randint(k2, (BATCH, 1), 0, NUM_MOVIES, dtype=jnp.int32).astype(jnp.int64)
    # he_normal init ~ normal(0, sqrt(2/fan_in)); fan_in for embedding rows ~ num_latent
    user_weights = jax.random.normal(k3, (NUM_USERS, NUM_LATENT), dtype=jnp.float32) * np.sqrt(2.0 / NUM_LATENT)
    user_bias = jax.random.normal(k4, (NUM_USERS, 1), dtype=jnp.float32) * np.sqrt(2.0)
    movie_weights = jax.random.normal(k5, (NUM_MOVIES, NUM_LATENT), dtype=jnp.float32) * np.sqrt(2.0 / NUM_LATENT)
    movie_bias = jax.random.normal(k6, (NUM_MOVIES, 1), dtype=jnp.float32) * np.sqrt(2.0)
    return {
        'users': users,
        'movies': movies,
        'user_weights': user_weights,
        'user_bias': user_bias,
        'movie_weights': movie_weights,
        'movie_bias': movie_bias,
    }


def reference(users, movies, user_weights, user_bias, movie_weights, movie_bias):
    u_idx = users.reshape(-1)  # [B]
    m_idx = movies.reshape(-1)  # [B]
    uw = jnp.take(user_weights, u_idx, axis=0)  # [B, num_latent]
    ub = jnp.take(user_bias, u_idx, axis=0)  # [B, 1]
    mw = jnp.take(movie_weights, m_idx, axis=0)  # [B, num_latent]
    mb = jnp.take(movie_bias, m_idx, axis=0)  # [B, 1]
    dot = jnp.sum(uw * mw, axis=1, keepdims=True)  # Dot(axes=1) -> [B, 1]
    x = dot + ub + mb  # Add layer
    x = jax.nn.sigmoid(x)
    out = x * (MAX_RATING - MIN_RATING) + MIN_RATING  # LambdaLayer
    return out

if __name__ == "__main__":
    import jax
    _d = setup_inputs()
    print(jax.jit(kernel)(*tuple(_d.values())))

</pallas_src>

<mosaic_0001>
#map = affine_map<(d0, d1) -> (0)>
#map1 = affine_map<(d0, d1) -> (0, 0)>
module attributes {stable_mosaic.version = 14 : i64} {
  func.func @_lmf_sc(%arg0: i32, %arg1: i32, %arg2: memref<16384xi32, #tpu.memory_space<hbm>>, %arg3: memref<16384xi32, #tpu.memory_space<hbm>>, %arg4: memref<32x1000000xf32, #tpu.memory_space<hbm>>, %arg5: memref<1000000xf32, #tpu.memory_space<hbm>>, %arg6: memref<25000x128xf32, #tpu.memory_space<hbm>>, %arg7: memref<100000xf32, #tpu.memory_space<hbm>>, %arg8: memref<16384xf32, #tpu.memory_space<hbm>>, %arg9: memref<512xi32, #tpu.memory_space<vmem>>, %arg10: memref<512xi32, #tpu.memory_space<vmem>>, %arg11: memref<512xi32, #tpu.memory_space<vmem>>, %arg12: memref<512xi32, #tpu.memory_space<vmem>>, %arg13: memref<512xi32, #tpu.memory_space<vmem>>, %arg14: memref<512xi32, #tpu.memory_space<smem>>, %arg15: memref<512xi32, #tpu.memory_space<smem>>, %arg16: memref<8x32x128xf32, #tpu.memory_space<vmem>>, %arg17: memref<16384xf32, #tpu.memory_space<vmem>>, %arg18: memref<512x128xf32, #tpu.memory_space<vmem>>, %arg19: memref<512xf32, #tpu.memory_space<vmem>>, %arg20: memref<512xf32, #tpu.memory_space<vmem>>, %arg21: memref<512xf32, #tpu.memory_space<vmem>>, %arg22: memref<8x!tpu.dma_semaphore, #tpu.memory_space<semaphore_mem>>, %arg23: memref<!tpu.dma_semaphore, #tpu.memory_space<semaphore_mem>>) attributes {dimension_semantics = [#tpu.dimension_semantics<core_parallel>, #tpu.dimension_semantics<subcore_parallel>], iteration_bounds = array<i64: 2, 16>, scalar_prefetch = 0 : i64, scratch_operands = 15 : i64, tpu.core_type = #tpu.core_type<sc_vector_subcore>, window_params = [{transform_indices = #map}, {transform_indices = #map}, {transform_indices = #map1}, {transform_indices = #map}, {transform_indices = #map1}, {transform_indices = #map}, {transform_indices = #map}]} {
    %mul3A = arith.constant 2 : i32
    %mul3A_0 = arith.muli %arg1, %mul3A : i32
    %add3A = arith.addi %mul3A_0, %arg0 : i32
    %mul3A_1 = arith.constant 512 : i32
    %mul3A_2 = arith.muli %add3A, %mul3A_1 : i32
    "tpu.region"() ({
      %run_scoped3A = tpu.sem_alloc : memref<!tpu.dma_semaphore, #tpu.memory_space<semaphore_mem>>
      %dma_start3A_349 = tpu.memref_slice %arg2[%mul3A_2] : memref<16384xi32, #tpu.memory_space<hbm>> -> memref<512xi32, #tpu.memory_space<hbm>>
      %dma_start3A_350 = tpu.memref_slice %arg2[%mul3A_2] : memref<16384xi32, #tpu.memory_space<hbm>> -> memref<512xi32, #tpu.memory_space<hbm>>
      tpu.enqueue_dma source(%dma_start3A_350 : memref<512xi32, #tpu.memory_space<hbm>>) target(%arg9 : memref<512xi32, #tpu.memory_space<vmem>>) target_semaphore(%run_scoped3A : memref<!tpu.dma_semaphore, #tpu.memory_space<semaphore_mem>>)
      %dma_wait3A_351 = tpu.memref_slice %arg2[%mul3A_2] : memref<16384xi32, #tpu.memory_space<hbm>> -> memref<512xi32, #tpu.memory_space<hbm>>
      %dma_wait3A_352 = tpu.memref_slice %arg2[%mul3A_2] : memref<16384xi32, #tpu.memory_space<hbm>> -> memref<512xi32, #tpu.memory_space<hbm>>
      tpu.wait_dma2 semaphore(%run_scoped3A : memref<!tpu.dma_semaphore, #tpu.memory_space<semaphore_mem>>) src(%dma_wait3A_352 : memref<512xi32, #tpu.memory_space<hbm>>) dst(%arg9 : memref<512xi32, #tpu.memory_space<vmem>>)
      tpu.yield
    }) : () -> ()
    "tpu.region"() ({
      %run_scoped3A = tpu.sem_alloc : memref<!tpu.dma_semaphore, #tpu.memory_space<semaphore_mem>>
      %dma_start3A_349 = tpu.memref_slice %arg3[%mul3A_2] : memref<16384xi32, #tpu.memory_space<hbm>> -> memref<512xi32, #tpu.memory_space<hbm>>
      %dma_start3A_350 = tpu.memref_slice %arg3[%mul3A_2] : memref<16384xi32, #tpu.memory_space<hbm>> -> memref<512xi32, #tpu.memory_space<hbm>>
      tpu.enqueue_dma source(%dma_start3A_350 : memref<512xi32, #tpu.memory_space<hbm>>) target(%arg10 : memref<512xi32, #tpu.memory_space<vmem>>) target_semaphore(%run_scoped3A : memref<!tpu.dma_semaphore, #tpu.memory_space<semaphore_mem>>)
      %dma_wait3A_351 = tpu.memref_slice %arg3[%mul3A_2] : memref<16384xi32, #tpu.memory_space<hbm>> -> memref<512xi32, #tpu.memory_space<hbm>>
      %dma_wait3A_352 = tpu.memref_slice %arg3[%mul3A_2] : memref<16384xi32, #tpu.memory_space<hbm>> -> memref<512xi32, #tpu.memory_space<hbm>>
      tpu.wait_dma2 semaphore(%run_scoped3A : memref<!tpu.dma_semaphore, #tpu.memory_space<semaphore_mem>>) src(%dma_wait3A_352 : memref<512xi32, #tpu.memory_space<hbm>>) dst(%arg10 : memref<512xi32, #tpu.memory_space<vmem>>)
      tpu.yield
    }) : () -> ()
    %scan3A = arith.constant 0 : i32
    %scan3A_3 = arith.constant 32 : i32
    %scan3A_4 = arith.addi %scan3A, %scan3A_3 : i32
    %scan3A_5 = arith.constant 1 : i32
    scf.for %scan3A_349 = %scan3A to %scan3A_4 step %scan3A_5  : i32 {
      %mul3A_350 = arith.constant 16 : i32
      %mul3A_351 = arith.muli %scan3A_349, %mul3A_350 : i32
      %get3A_352 = arith.index_cast %mul3A_351 : i32 to index
      %get3A_353 = tpu.vector_load %arg9[%get3A_352] {strides = array<i32>} : memref<512xi32, #tpu.memory_space<vmem>>, vector<16xi32>,
      %shift_right_logical3A = arith.constant 7 : i32
      %shift_right_logical3A_354 = vector.broadcast %shift_right_logical3A : i32 to vector<16xi32>
      %shift_right_logical3A_355 = arith.shrui %get3A_353, %shift_right_logical3A_354 : vector<16xi32>
      %swap3A = arith.index_cast %mul3A_351 : i32 to index
      %swap3A_356 = tpu.vector_load %arg11[%swap3A] {strides = array<i32>} : memref<512xi32, #tpu.memory_space<vmem>>, vector<16xi32>,
      tpu.vector_store %arg11[%swap3A], %shift_right_logical3A_355 {strides = array<i32>} : memref<512xi32, #tpu.memory_space<vmem>>, vector<16xi32>,
      %and3A = arith.constant 127 : i32
      %and3A_357 = vector.broadcast %and3A : i32 to vector<16xi32>
      %and3A_358 = arith.andi %get3A_353, %and3A_357 : vector<16xi32>
      %swap3A_359 = arith.index_cast %mul3A_351 : i32 to index
      %swap3A_360 = tpu.vector_load %arg12[%swap3A_359] {strides = array<i32>} : memref<512xi32, #tpu.memory_space<vmem>>, vector<16xi32>,
      tpu.vector_store %arg12[%swap3A_359], %and3A_358 {strides = array<i32>} : memref<512xi32, #tpu.memory_space<vmem>>, vector<16xi32>,
      %get3A_361 = arith.index_cast %mul3A_351 : i32 to index
      %get3A_362 = tpu.vector_load %arg10[%get3A_361] {strides = array<i32>} : memref<512xi32, #tpu.memory_space<vmem>>, vector<16xi32>,
      %shift_right_logical3A_363 = arith.constant 2 : i32
      %shift_right_logical3A_364 = vector.broadcast %shift_right_logical3A_363 : i32 to vector<16xi32>
      %shift_right_logical3A_365 = arith.shrui %get3A_362, %shift_right_logical3A_364 : vector<16xi32>
      %swap3A_366 = arith.index_cast %mul3A_351 : i32 to index
      %swap3A_367 = tpu.vector_load %arg13[%swap3A_366] {strides = array<i32>} : memref<512xi32, #tpu.memory_space<vmem>>, vector<16xi32>,
      tpu.vector_store %arg13[%swap3A_366], %shift_right_logical3A_365 {strides = array<i32>} : memref<512xi32, #tpu.memory_space<vmem>>, vector<16xi32>,
    }
    %scan3A_6 = arith.constant 32 : i32
    %scan3A_7 = arith.constant 0 : i32
    %scan3A_8 = arith.constant 32 : i32
    %scan3A_9 = arith.addi %scan3A_7, %scan3A_8 : i32
    %scan3A_10 = arith.constant 1 : i32
    scf.for %scan3A_349 = %scan3A_7 to %scan3A_9 step %scan3A_10  : i32 {
      %mul3A_350 = arith.constant 16 : i32
      %mul3A_351 = arith.muli %scan3A_349, %mul3A_350 : i32
      %get3A_352 = arith.index_cast %mul3A_351 : i32 to index
      %get3A_353 = tpu.vector_load %arg11[%get3A_352] {strides = array<i32>} : memref<512xi32, #tpu.memory_space<vmem>>, vector<16xi32>,
      %mul3A_354 = arith.constant 16 : i32
      %mul3A_355 = arith.muli %scan3A_349, %mul3A_354 : i32
      %get3A_356 = arith.index_cast %mul3A_355 : i32 to index
      %get3A_357 = tpu.vector_load %arg12[%get3A_356] {strides = array<i32>} : memref<512xi32, #tpu.memory_space<vmem>>, vector<16xi32>,
      %slice3A = vector.extract_strided_slice %get3A_353 {offsets = [0], sizes = [1], strides = [1]} : vector<16xi32> to vector<1xi32>
      %squeeze3A = vector.extract %slice3A[0] : i32 from vector<1xi32>
      %mul3A_358 = arith.constant 16 : i32
      %mul3A_359 = arith.muli %scan3A_349, %mul3A_358 : i32
      %add3A_360 = arith.constant 0 : i32
      %add3A_361 = arith.addi %mul3A_359, %add3A_360 : i32
      %swap3A = arith.index_cast %add3A_361 : i32 to index
      %swap3A_362 = memref.load %arg14[%swap3A] : memref<512xi32, #tpu.memory_space<smem>>
      memref.store %squeeze3A, %arg14[%swap3A] : memref<512xi32, #tpu.memory_space<smem>>
      %slice3A_363 = vector.extract_strided_slice %get3A_357 {offsets = [0], sizes = [1], strides = [1]} : vector<16xi32> to vector<1xi32>
      %squeeze3A_364 = vector.extract %slice3A_363[0] : i32 from vector<1xi32>
      %mul3A_365 = arith.constant 16 : i32
      %mul3A_366 = arith.muli %scan3A_349, %mul3A_365 : i32
      %add3A_367 = arith.constant 0 : i32
      %add3A_368 = arith.addi %mul3A_366, %add3A_367 : i32
      %swap3A_369 = arith.index_cast %add3A_368 : i32 to index
      %swap3A_370 = memref.load %arg15[%swap3A_369] : memref<512xi32, #tpu.memory_space<smem>>
      memref.store %squeeze3A_364, %arg15[%swap3A_369] : memref<512xi32, #tpu.memory_space<smem>>
      %slice3A_371 = vector.extract_strided_slice %get3A_353 {offsets = [1], sizes = [1], strides = [1]} : vector<16xi32> to vector<1xi32>
      %squeeze3A_372 = vector.extract %slice3A_371[0] : i32 from vector<1xi32>
      %mul3A_373 = arith.constant 16 : i32
      %mul3A_374 = arith.muli %scan3A_349, %mul3A_373 : i32
      %add3A_375 = arith.constant 1 : i32
      %add3A_376 = arith.addi %mul3A_374, %add3A_375 : i32
      %swap3A_377 = arith.index_cast %add3A_376 : i32 to index
      %swap3A_378 = memref.load %arg14[%swap3A_377] : memref<512xi32, #tpu.memory_space<smem>>
      memref.store %squeeze3A_372, %arg14[%swap3A_377] : memref<512xi32, #tpu.memory_space<smem>>
      %slice3A_379 = vector.extract_strided_slice %get3A_357 {offsets = [1], sizes = [1], strides = [1]} : vector<16xi32> to vector<1xi32>
      %squeeze3A_380 = vector.extract %slice3A_379[0] : i32 from vector<1xi32>
      %mul3A_381 = arith.constant 16 : i32
      %mul3A_382 = arith.muli %scan3A_349, %mul3A_381 : i32
      %add3A_383 = arith.constant 1 : i32
      %add3A_384 = arith.addi %mul3A_382, %add3A_383 : i32
      %swap3A_385 = arith.index_cast %add3A_384 : i32 to index
      %swap3A_386 = memref.load %arg15[%swap3A_385] : memref<512xi32, #tpu.memory_space<smem>>
      memref.store %squeeze3A_380, %arg15[%swap3A_385] : memref<512xi32, #tpu.memory_space<smem>>
      %slice3A_387 = vector.extract_strided_slice %get3A_353 {offsets = [2], sizes = [1], strides = [1]} : vector<16xi32> to vector<1xi32>
      %squeeze3A_388 = vector.extract %slice3A_387[0] : i32 from vector<1xi32>
      %mul3A_389 = arith.constant 16 : i32
      %mul3A_390 = arith.muli %scan3A_349, %mul3A_389 : i32
      %add3A_391 = arith.constant 2 : i32
      %add3A_392 = arith.addi %mul3A_390, %add3A_391 : i32
      %swap3A_393 = arith.index_cast %add3A_392 : i32 to index
      %swap3A_394 = memref.load %arg14[%swap3A_393] : memref<512xi32, #tpu.memory_space<smem>>
      memref.store %squeeze3A_388, %arg14[%swap3A_393] : memref<512xi32, #tpu.memory_space<smem>>
      %slice3A_395 = vector.extract_strided_slice %get3A_357 {offsets = [2], sizes = [1], strides = [1]} : vector<16xi32> to vector<1xi32>
      %squeeze3A_396 = vector.extract %slice3A_395[0] : i32 from vector<1xi32>
      %mul3A_397 = arith.constant 16 : i32
      %mul3A_398 = arith.muli %scan3A_349, %mul3A_397 : i32
      %add3A_399 = arith.constant 2 : i32
      %add3A_400 = arith.addi %mul3A_398, %add3A_399 : i32
      %swap3A_401 = arith.index_cast %add3A_400 : i32 to index
      %swap3A_402 = memref.load %arg15[%swap3A_401] : memref<512xi32, #tpu.memory_space<smem>>
      memref.store %squeeze3A_396, %arg15[%swap3A_401] : memref<512xi32, #tpu.memory_space<smem>>
      %slice3A_403 = vector.extract_strided_slice %get3A_353 {offsets = [3], sizes = [1], strides = [1]} : vector<16xi32> to vector<1xi32>
      %squeeze3A_404 = vector.extract %slice3A_403[0] : i32 from vector<1xi32>
      %mul3A_405 = arith.constant 16 : i32
      %mul3A_406 = arith.muli %scan3A_349, %mul3A_405 : i32
      %add3A_407 = arith.constant 3 : i32
      %add3A_408 = arith.addi %mul3A_406, %add3A_407 : i32
      %swap3A_409 = arith.index_cast %add3A_408 : i32 to index
      %swap3A_410 = memref.load %arg14[%swap3A_409] : memref<512xi32, #tpu.memory_space<smem>>
      memref.store %squeeze3A_404, %arg14[%swap3A_409] : memref<512xi32, #tpu.memory_space<smem>>
      %slice3A_411 = vector.extract_strided_slice %get3A_357 {offsets = [3], sizes = [1], strides = [1]} : vector<16xi32> to vector<1xi32>
      %squeeze3A_412 = vector.extract %slice3A_411[0] : i32 from vector<1xi32>
      %mul3A_413 = arith.constant 16 : i32
      %mul3A_414 = arith.muli %scan3A_349, %mul3A_413 : i32
      %add3A_415 = arith.constant 3 : i32
      %add3A_416 = arith.addi %mul3A_414, %add3A_415 : i32
      %swap3A_417 = arith.index_cast %add3A_416 : i32 to index
      %swap3A_418 = memref.load %arg15[%swap3A_417] : memref<512xi32, #tpu.memory_space<smem>>
      memref.store %squeeze3A_412, %arg15[%swap3A_417] : memref<512xi32, #tpu.memory_space<smem>>
      %slice3A_419 = vector.extract_strided_slice %get3A_353 {offsets = [4], sizes = [1], strides = [1]} : vector<16xi32> to vector<1xi32>
      %squeeze3A_420 = vector.extract %slice3A_419[0] : i32 from vector<1xi32>
      %mul3A_421 = arith.constant 16 : i32
      %mul3A_422 = arith.muli %scan3A_349, %mul3A_421 : i32
      %add3A_423 = arith.constant 4 : i32
      %add3A_424 = arith.addi %mul3A_422, %add3A_423 : i32
      %swap3A_425 = arith.index_cast %add3A_424 : i32 to index
      %swap3A_426 = memref.load %arg14[%swap3A_425] : memref<512xi32, #tpu.memory_space<smem>>
      memref.store %squeeze3A_420, %arg14[%swap3A_425] : memref<512xi32, #tpu.memory_space<smem>>
      %slice3A_427 = vector.extract_strided_slice %get3A_357 {offsets = [4], sizes = [1], strides = [1]} : vector<16xi32> to vector<1xi32>
      %squeeze3A_428 = vector.extract %slice3A_427[0] : i32 from vector<1xi32>
      %mul3A_429 = arith.constant 16 : i32
      %mul3A_430 = arith.muli %scan3A_349, %mul3A_429 : i32
      %add3A_431 = arith.constant 4 : i32
      %add3A_432 = arith.addi %mul3A_430, %add3A_431 : i32
      %swap3A_433 = arith.index_cast %add3A_432 : i32 to index
      %swap3A_434 = memref.load %arg15[%swap3A_433] : memref<512xi32, #tpu.memory_space<smem>>
      memref.store %squeeze3A_428, %arg15[%swap3A_433] : memref<512xi32, #tpu.memory_space<smem>>
      %slice3A_435 = vector.extract_strided_slice %get3A_353 {offsets = [5], sizes = [1], strides = [1]} : vector<16xi32> to vector<1xi32>
      %squeeze3A_436 = vector.extract %slice3A_435[0] : i32 from vector<1xi32>
      %mul3A_437 = arith.constant 16 : i32
      %mul3A_438 = arith.muli %scan3A_349, %mul3A_437 : i32
      %add3A_439 = arith.constant 5 : i32
      %add3A_440 = arith.addi %mul3A_438, %add3A_439 : i32
      %swap3A_441 = arith.index_cast %add3A_440 : i32 to index
      %swap3A_442 = memref.load %arg14[%swap3A_441] : memref<512xi32, #tpu.memory_space<smem>>
      memref.store %squeeze3A_436, %arg14[%swap3A_441] : memref<512xi32, #tpu.memory_space<smem>>
      %slice3A_443 = vector.extract_strided_slice %get3A_357 {offsets = [5], sizes = [1], strides = [1]} : vector<16xi32> to vector<1xi32>
      %squeeze3A_444 = vector.extract %slice3A_443[0] : i32 from vector<1xi32>
      %mul3A_445 = arith.constant 16 : i32
      %mul3A_446 = arith.muli %scan3A_349, %mul3A_445 : i32
      %add3A_447 = arith.constant 5 : i32
      %add3A_448 = arith.addi %mul3A_446, %add3A_447 : i32
      %swap3A_449 = arith.index_cast %add3A_448 : i32 to index
      %swap3A_450 = memref.load %arg15[%swap3A_449] : memref<512xi32, #tpu.memory_space<smem>>
      memref.store %squeeze3A_444, %arg15[%swap3A_449] : memref<512xi32, #tpu.memory_space<smem>>
      %slice3A_451 = vector.extract_strided_slice %get3A_353 {offsets = [6], sizes = [1], strides = [1]} : vector<16xi32> to vector<1xi32>
      %squeeze3A_452 = vector.extract %slice3A_451[0] : i32 from vector<1xi32>
      %mul3A_453 = arith.constant 16 : i32
      %mul3A_454 = arith.muli %scan3A_349, %mul3A_453 : i32
      %add3A_455 = arith.constant 6 : i32
      %add3A_456 = arith.addi %mul3A_454, %add3A_455 : i32
      %swap3A_457 = arith.index_cast %add3A_456 : i32 to index
      %swap3A_458 = memref.load %arg14[%swap3A_457] : memref<512xi32, #tpu.memory_space<smem>>
      memref.store %squeeze3A_452, %arg14[%swap3A_457] : memref<512xi32, #tpu.memory_space<smem>>
      %slice3A_459 = vector.extract_strided_slice %get3A_357 {offsets = [6], sizes = [1], strides = [1]} : vector<16xi32> to vector<1xi32>
      %squeeze3A_460 = vector.extract %slice3A_459[0] : i32 from vector<1xi32>
      %mul3A_461 = arith.constant 16 : i32
      %mul3A_462 = arith.muli %scan3A_349, %mul3A_461 : i32
      %add3A_463 = arith.constant 6 : i32
      %add3A_464 = arith.addi %mul3A_462, %add3A_463 : i32
      %swap3A_465 = arith.index_cast %add3A_464 : i32 to index
      %swap3A_466 = memref.load %arg15[%swap3A_465] : memref<512xi32, #tpu.memory_space<smem>>
      memref.store %squeeze3A_460, %arg15[%swap3A_465] : memref<512xi32, #tpu.memory_space<smem>>
      %slice3A_467 = vector.extract_strided_slice %get3A_353 {offsets = [7], sizes = [1], strides = [1]} : vector<16xi32> to vector<1xi32>
      %squeeze3A_468 = vector.extract %slice3A_467[0] : i32 from vector<1xi32>
      %mul3A_469 = arith.constant 16 : i32
      %mul3A_470 = arith.muli %scan3A_349, %mul3A_469 : i32
      %add3A_471 = arith.constant 7 : i32
      %add3A_472 = arith.addi %mul3A_470, %add3A_471 : i32
      %swap3A_473 = arith.index_cast %add3A_472 : i32 to index
      %swap3A_474 = memref.load %arg14[%swap3A_473] : memref<512xi32, #tpu.memory_space<smem>>
      memref.store %squeeze3A_468, %arg14[%swap3A_473] : memref<512xi32, #tpu.memory_space<smem>>
      %slice3A_475 = vector.extract_strided_slice %get3A_357 {offsets = [7], sizes = [1], strides = [1]} : vector<16xi32> to vector<1xi32>
      %squeeze3A_476 = vector.extract %slice3A_475[0] : i32 from vector<1xi32>
      %mul3A_477 = arith.constant 16 : i32
      %mul3A_478 = arith.muli %scan3A_349, %mul3A_477 : i32
      %add3A_479 = arith.constant 7 : i32
      %add3A_480 = arith.addi %mul3A_478, %add3A_479 : i32
      %swap3A_481 = arith.index_cast %add3A_480 : i32 to index
      %swap3A_482 = memref.load %arg15[%swap3A_481] : memref<512xi32, #tpu.memory_space<smem>>
      memref.store %squeeze3A_476, %arg15[%swap3A_481] : memref<512xi32, #tpu.memory_space<smem>>
      %slice3A_483 = vector.extract_strided_slice %get3A_353 {offsets = [8], sizes = [1], strides = [1]} : vector<16xi32> to vector<1xi32>
      %squeeze3A_484 = vector.extract %slice3A_483[0] : i32 from vector<1xi32>
      %mul3A_485 = arith.constant 16 : i32
      %mul3A_486 = arith.muli %scan3A_349, %mul3A_485 : i32
      %add3A_487 = arith.constant 8 : i32
      %add3A_488 = arith.addi %mul3A_486, %add3A_487 : i32
      %swap3A_489 = arith.index_cast %add3A_488 : i32 to index
      %swap3A_490 = memref.load %arg14[%swap3A_489] : memref<512xi32, #tpu.memory_space<smem>>
      memref.store %squeeze3A_484, %arg14[%swap3A_489] : memref<512xi32, #tpu.memory_space<smem>>
      %slice3A_491 = vector.extract_strided_slice %get3A_357 {offsets = [8], sizes = [1], strides = [1]} : vector<16xi32> to vector<1xi32>
      %squeeze3A_492 = vector.extract %slice3A_491[0] : i32 from vector<1xi32>
      %mul3A_493 = arith.constant 16 : i32
      %mul3A_494 = arith.muli %scan3A_349, %mul3A_493 : i32
      %add3A_495 = arith.constant 8 : i32
      %add3A_496 = arith.addi %mul3A_494, %add3A_495 : i32
      %swap3A_497 = arith.index_cast %add3A_496 : i32 to index
      %swap3A_498 = memref.load %arg15[%swap3A_497] : memref<512xi32, #tpu.memory_space<smem>>
      memref.store %squeeze3A_492, %arg15[%swap3A_497] : memref<512xi32, #tpu.memory_space<smem>>
      %slice3A_499 = vector.extract_strided_slice %get3A_353 {offsets = [9], sizes = [1], strides = [1]} : vector<16xi32> to vector<1xi32>
      %squeeze3A_500 = vector.extract %slice3A_499[0] : i32 from vector<1xi32>
      %mul3A_501 = arith.constant 16 : i32
      %mul3A_502 = arith.muli %scan3A_349, %mul3A_501 : i32
      %add3A_503 = arith.constant 9 : i32
      %add3A_504 = arith.addi %mul3A_502, %add3A_503 : i32
      %swap3A_505 = arith.index_cast %add3A_504 : i32 to index
      %swap3A_506 = memref.load %arg14[%swap3A_505] : memref<512xi32, #tpu.memory_space<smem>>
      memref.store %squeeze3A_500, %arg14[%swap3A_505] : memref<512xi32, #tpu.memory_space<smem>>
      %slice3A_507 = vector.extract_strided_slice %get3A_357 {offsets = [9], sizes = [1], strides = [1]} : vector<16xi32> to vector<1xi32>
      %squeeze3A_508 = vector.extract %slice3A_507[0] : i32 from vector<1xi32>
      %mul3A_509 = arith.constant 16 : i32
      %mul3A_510 = arith.muli %scan3A_349, %mul3A_509 : i32
      %add3A_511 = arith.constant 9 : i32
      %add3A_512 = arith.addi %mul3A_510, %add3A_511 : i32
      %swap3A_513 = arith.index_cast %add3A_512 : i32 to index
      %swap3A_514 = memref.load %arg15[%swap3A_513] : memref<512xi32, #tpu.memory_space<smem>>
      memref.store %squeeze3A_508, %arg15[%swap3A_513] : memref<512xi32, #tpu.memory_space<smem>>
      %slice3A_515 = vector.extract_strided_slice %get3A_353 {offsets = [10], sizes = [1], strides = [1]} : vector<16xi32> to vector<1xi32>
      %squeeze3A_516 = vector.extract %slice3A_515[0] : i32 from vector<1xi32>
      %mul3A_517 = arith.constant 16 : i32
      %mul3A_518 = arith.muli %scan3A_349, %mul3A_517 : i32
      %add3A_519 = arith.constant 10 : i32
      %add3A_520 = arith.addi %mul3A_518, %add3A_519 : i32
      %swap3A_521 = arith.index_cast %add3A_520 : i32 to index
      %swap3A_522 = memref.load %arg14[%swap3A_521] : memref<512xi32, #tpu.memory_space<smem>>
      memref.store %squeeze3A_516, %arg14[%swap3A_521] : memref<512xi32, #tpu.memory_space<smem>>
      %slice3A_523 = vector.extract_strided_slice %get3A_357 {offsets = [10], sizes = [1], strides = [1]} : vector<16xi32> to vector<1xi32>
      %squeeze3A_524 = vector.extract %slice3A_523[0] : i32 from vector<1xi32>
      %mul3A_525 = arith.constant 16 : i32
      %mul3A_526 = arith.muli %scan3A_349, %mul3A_525 : i32
      %add3A_527 = arith.constant 10 : i32
      %add3A_528 = arith.addi %mul3A_526, %add3A_527 : i32
      %swap3A_529 = arith.index_cast %add3A_528 : i32 to index
      %swap3A_530 = memref.load %arg15[%swap3A_529] : memref<512xi32, #tpu.memory_space<smem>>
      memref.store %squeeze3A_524, %arg15[%swap3A_529] : memref<512xi32, #tpu.memory_space<smem>>
      %slice3A_531 = vector.extract_strided_slice %get3A_353 {offsets = [11], sizes = [1], strides = [1]} : vector<16xi32> to vector<1xi32>
      %squeeze3A_532 = vector.extract %slice3A_531[0] : i32 from vector<1xi32>
      %mul3A_533 = arith.constant 16 : i32
      %mul3A_534 = arith.muli %scan3A_349, %mul3A_533 : i32
      %add3A_535 = arith.constant 11 : i32
      %add3A_536 = arith.addi %mul3A_534, %add3A_535 : i32
      %swap3A_537 = arith.index_cast %add3A_536 : i32 to index
      %swap3A_538 = memref.load %arg14[%swap3A_537] : memref<512xi32, #tpu.memory_space<smem>>
      memref.store %squeeze3A_532, %arg14[%swap3A_537] : memref<512xi32, #tpu.memory_space<smem>>
      %slice3A_539 = vector.extract_strided_slice %get3A_357 {offsets = [11], sizes = [1], strides = [1]} : vector<16xi32> to vector<1xi32>
      %squeeze3A_540 = vector.extract %slice3A_539[0] : i32 from vector<1xi32>
      %mul3A_541 = arith.constant 16 : i32
      %mul3A_542 = arith.muli %scan3A_349, %mul3A_541 : i32
      %add3A_543 = arith.constant 11 : i32
      %add3A_544 = arith.addi %mul3A_542, %add3A_543 : i32
      %swap3A_545 = arith.index_cast %add3A_544 : i32 to index
      %swap3A_546 = memref.load %arg15[%swap3A_545] : memref<512xi32, #tpu.memory_space<smem>>
      memref.store %squeeze3A_540, %arg15[%swap3A_545] : memref<512xi32, #tpu.memory_space<smem>>
      %slice3A_547 = vector.extract_strided_slice %get3A_353 {offsets = [12], sizes = [1], strides = [1]} : vector<16xi32> to vector<1xi32>
      %squeeze3A_548 = vector.extract %slice3A_547[0] : i32 from vector<1xi32>
      %mul3A_549 = arith.constant 16 : i32
      %mul3A_550 = arith.muli %scan3A_349, %mul3A_549 : i32
      %add3A_551 = arith.constant 12 : i32
      %add3A_552 = arith.addi %mul3A_550, %add3A_551 : i32
      %swap3A_553 = arith.index_cast %add3A_552 : i32 to index
      %swap3A_554 = memref.load %arg14[%swap3A_553] : memref<512xi32, #tpu.memory_space<smem>>
      memref.store %squeeze3A_548, %arg14[%swap3A_553] : memref<512xi32, #tpu.memory_space<smem>>
      %slice3A_555 = vector.extract_strided_slice %get3A_357 {offsets = [12], sizes = [1], strides = [1]} : vector<16xi32> to vector<1xi32>
      %squeeze3A_556 = vector.extract %slice3A_555[0] : i32 from vector<1xi32>
      %mul3A_557 = arith.constant 16 : i32
      %mul3A_558 = arith.muli %scan3A_349, %mul3A_557 : i32
      %add3A_559 = arith.constant 12 : i32
      %add3A_560 = arith.addi %mul3A_558, %add3A_559 : i32
      %swap3A_561 = arith.index_cast %add3A_560 : i32 to index
      %swap3A_562 = memref.load %arg15[%swap3A_561] : memref<512xi32, #tpu.memory_space<smem>>
      memref.store %squeeze3A_556, %arg15[%swap3A_561] : memref<512xi32, #tpu.memory_space<smem>>
      %slice3A_563 = vector.extract_strided_slice %get3A_353 {offsets = [13], sizes = [1], strides = [1]} : vector<16xi32> to vector<1xi32>
      %squeeze3A_564 = vector.extract %slice3A_563[0] : i32 from vector<1xi32>
      %mul3A_565 = arith.constant 16 : i32
      %mul3A_566 = arith.muli %scan3A_349, %mul3A_565 : i32
      %add3A_567 = arith.constant 13 : i32
      %add3A_568 = arith.addi %mul3A_566, %add3A_567 : i32
      %swap3A_569 = arith.index_cast %add3A_568 : i32 to index
      %swap3A_570 = memref.load %arg14[%swap3A_569] : memref<512xi32, #tpu.memory_space<smem>>
      memref.store %squeeze3A_564, %arg14[%swap3A_569] : memref<512xi32, #tpu.memory_space<smem>>
      %slice3A_571 = vector.extract_strided_slice %get3A_357 {offsets = [13], sizes = [1], strides = [1]} : vector<16xi32> to vector<1xi32>
      %squeeze3A_572 = vector.extract %slice3A_571[0] : i32 from vector<1xi32>
      %mul3A_573 = arith.constant 16 : i32
      %mul3A_574 = arith.muli %scan3A_349, %mul3A_573 : i32
      %add3A_575 = arith.constant 13 : i32
      %add3A_576 = arith.addi %mul3A_574, %add3A_575 : i32
      %swap3A_577 = arith.index_cast %add3A_576 : i32 to index
      %swap3A_578 = memref.load %arg15[%swap3A_577] : memref<512xi32, #tpu.memory_space<smem>>
      memref.store %squeeze3A_572, %arg15[%swap3A_577] : memref<512xi32, #tpu.memory_space<smem>>
      %slice3A_579 = vector.extract_strided_slice %get3A_353 {offsets = [14], sizes = [1], strides = [1]} : vector<16xi32> to vector<1xi32>
      %squeeze3A_580 = vector.extract %slice3A_579[0] : i32 from vector<1xi32>
      %mul3A_581 = arith.constant 16 : i32
      %mul3A_582 = arith.muli %scan3A_349, %mul3A_581 : i32
      %add3A_583 = arith.constant 14 : i32
      %add3A_584 = arith.addi %mul3A_582, %add3A_583 : i32
      %swap3A_585 = arith.index_cast %add3A_584 : i32 to index
      %swap3A_586 = memref.load %arg14[%swap3A_585] : memref<512xi32, #tpu.memory_space<smem>>
      memref.store %squeeze3A_580, %arg14[%swap3A_585] : memref<512xi32, #tpu.memory_space<smem>>
      %slice3A_587 = vector.extract_strided_slice %get3A_357 {offsets = [14], sizes = [1], strides = [1]} : vector<16xi32> to vector<1xi32>
      %squeeze3A_588 = vector.extract %slice3A_587[0] : i32 from vector<1xi32>
      %mul3A_589 = arith.constant 16 : i32
      %mul3A_590 = arith.muli %scan3A_349, %mul3A_589 : i32
      %add3A_591 = arith.constant 14 : i32
      %add3A_592 = arith.addi %mul3A_590, %add3A_591 : i32
      %swap3A_593 = arith.index_cast %add3A_592 : i32 to index
      %swap3A_594 = memref.load %arg15[%swap3A_593] : memref<512xi32, #tpu.memory_space<smem>>
      memref.store %squeeze3A_588, %arg15[%swap3A_593] : memref<512xi32, #tpu.memory_space<smem>>
      %slice3A_595 = vector.extract_strided_slice %get3A_353 {offsets = [15], sizes = [1], strides = [1]} : vector<16xi32> to vector<1xi32>
      %squeeze3A_596 = vector.extract %slice3A_595[0] : i32 from vector<1xi32>
      %mul3A_597 = arith.constant 16 : i32
      %mul3A_598 = arith.muli %scan3A_349, %mul3A_597 : i32
      %add3A_599 = arith.constant 15 : i32
      %add3A_600 = arith.addi %mul3A_598, %add3A_599 : i32
      %swap3A_601 = arith.index_cast %add3A_600 : i32 to index
      %swap3A_602 = memref.load %arg14[%swap3A_601] : memref<512xi32, #tpu.memory_space<smem>>
      memref.store %squeeze3A_596, %arg14[%swap3A_601] : memref<512xi32, #tpu.memory_space<smem>>
      %slice3A_603 = vector.extract_strided_slice %get3A_357 {offsets = [15], sizes = [1], strides = [1]} : vector<16xi32> to vector<1xi32>
      %squeeze3A_604 = vector.extract %slice3A_603[0] : i32 from vector<1xi32>
      %mul3A_605 = arith.constant 16 : i32
      %mul3A_606 = arith.muli %scan3A_349, %mul3A_605 : i32
      %add3A_607 = arith.constant 15 : i32
      %add3A_608 = arith.addi %mul3A_606, %add3A_607 : i32
      %swap3A_609 = arith.index_cast %add3A_608 : i32 to index
      %swap3A_610 = memref.load %arg15[%swap3A_609] : memref<512xi32, #tpu.memory_space<smem>>
      memref.store %squeeze3A_604, %arg15[%swap3A_609] : memref<512xi32, #tpu.memory_space<smem>>
    }
    %scan3A_11 = arith.constant 32 : i32
    %dma_start3A = arith.constant 0 : i32
    %dma_start3A_12 = tpu.memref_slice %arg19[%dma_start3A] : memref<512xf32, #tpu.memory_space<vmem>> -> memref<128xf32, #tpu.memory_space<vmem>>
    %dma_start3A_13 = arith.constant 0 : i32
    %dma_start3A_14 = tpu.memref_slice %arg9[%dma_start3A_13] : memref<512xi32, #tpu.memory_space<vmem>> -> memref<128xi32, #tpu.memory_space<vmem>>
    %dma_start3A_15 = arith.constant 0 : i32
    %dma_start3A_16 = tpu.memref_slice %arg5[%dma_start3A_15] : memref<1000000xf32, #tpu.memory_space<hbm>> -> memref<1000000xf32, #tpu.memory_space<hbm>>
    tpu.enqueue_indirect_dma source(%dma_start3A_16 : memref<1000000xf32, #tpu.memory_space<hbm>>) target(%dma_start3A_12 : memref<128xf32, #tpu.memory_space<vmem>>) offsets(%dma_start3A_14 : memref<128xi32, #tpu.memory_space<vmem>>) semaphore(%arg23 : memref<!tpu.dma_semaphore, #tpu.memory_space<semaphore_mem>>)
    %dma_start3A_17 = arith.constant 0 : i32
    %dma_start3A_18 = tpu.memref_slice %arg20[%dma_start3A_17] : memref<512xf32, #tpu.memory_space<vmem>> -> memref<128xf32, #tpu.memory_space<vmem>>
    %dma_start3A_19 = arith.constant 0 : i32
    %dma_start3A_20 = tpu.memref_slice %arg10[%dma_start3A_19] : memref<512xi32, #tpu.memory_space<vmem>> -> memref<128xi32, #tpu.memory_space<vmem>>
    %dma_start3A_21 = arith.constant 0 : i32
    %dma_start3A_22 = tpu.memref_slice %arg7[%dma_start3A_21] : memref<100000xf32, #tpu.memory_space<hbm>> -> memref<100000xf32, #tpu.memory_space<hbm>>
    tpu.enqueue_indirect_dma source(%dma_start3A_22 : memref<100000xf32, #tpu.memory_space<hbm>>) target(%dma_start3A_18 : memref<128xf32, #tpu.memory_space<vmem>>) offsets(%dma_start3A_20 : memref<128xi32, #tpu.memory_space<vmem>>) semaphore(%arg23 : memref<!tpu.dma_semaphore, #tpu.memory_space<semaphore_mem>>)
    %dma_start3A_23 = arith.constant 0 : i32
    %dma_start3A_24 = arith.constant 0 : i32
    %dma_start3A_25 = tpu.memref_slice %arg18[%dma_start3A_23, %dma_start3A_24] : memref<512x128xf32, #tpu.memory_space<vmem>> -> memref<128x128xf32, #tpu.memory_space<vmem>>
    %dma_start3A_26 = arith.constant 0 : i32
    %dma_start3A_27 = tpu.memref_slice %arg13[%dma_start3A_26] : memref<512xi32, #tpu.memory_space<vmem>> -> memref<128xi32, #tpu.memory_space<vmem>>
    %dma_start3A_28 = arith.constant 0 : i32
    %dma_start3A_29 = arith.constant 0 : i32
    %dma_start3A_30 = tpu.memref_slice %arg6[%dma_start3A_28, %dma_start3A_29] : memref<25000x128xf32, #tpu.memory_space<hbm>> -> memref<25000x128xf32, #tpu.memory_space<hbm>>
    tpu.enqueue_indirect_dma source(%dma_start3A_30 : memref<25000x128xf32, #tpu.memory_space<hbm>>) target(%dma_start3A_25 : memref<128x128xf32, #tpu.memory_space<vmem>>) offsets(%dma_start3A_27 : memref<128xi32, #tpu.memory_space<vmem>>) semaphore(%arg23 : memref<!tpu.dma_semaphore, #tpu.memory_space<semaphore_mem>>)
    %dma_start3A_31 = arith.constant 128 : i32
    %dma_start3A_32 = tpu.memref_slice %arg19[%dma_start3A_31] : memref<512xf32, #tpu.memory_space<vmem>> -> memref<128xf32, #tpu.memory_space<vmem>>
    %dma_start3A_33 = arith.constant 128 : i32
    %dma_start3A_34 = tpu.memref_slice %arg9[%dma_start3A_33] : memref<512xi32, #tpu.memory_space<vmem>> -> memref<128xi32, #tpu.memory_space<vmem>>
    %dma_start3A_35 = arith.constant 0 : i32
    %dma_start3A_36 = tpu.memref_slice %arg5[%dma_start3A_35] : memref<1000000xf32, #tpu.memory_space<hbm>> -> memref<1000000xf32, #tpu.memory_space<hbm>>
    tpu.enqueue_indirect_dma source(%dma_start3A_36 : memref<1000000xf32, #tpu.memory_space<hbm>>) target(%dma_start3A_32 : memref<128xf32, #tpu.memory_space<vmem>>) offsets(%dma_start3A_34 : memref<128xi32, #tpu.memory_space<vmem>>) semaphore(%arg23 : memref<!tpu.dma_semaphore, #tpu.memory_space<semaphore_mem>>)
    %dma_start3A_37 = arith.constant 128 : i32
    %dma_start3A_38 = tpu.memref_slice %arg20[%dma_start3A_37] : memref<512xf32, #tpu.memory_space<vmem>> -> memref<128xf32, #tpu.memory_space<vmem>>
    %dma_start3A_39 = arith.constant 128 : i32
    %dma_start3A_40 = tpu.memref_slice %arg10[%dma_start3A_39] : memref<512xi32, #tpu.memory_space<vmem>> -> memref<128xi32, #tpu.memory_space<vmem>>
    %dma_start3A_41 = arith.constant 0 : i32
    %dma_start3A_42 = tpu.memref_slice %arg7[%dma_start3A_41] : memref<100000xf32, #tpu.memory_space<hbm>> -> memref<100000xf32, #tpu.memory_space<hbm>>
    tpu.enqueue_indirect_dma source(%dma_start3A_42 : memref<100000xf32, #tpu.memory_space<hbm>>) target(%dma_start3A_38 : memref<128xf32, #tpu.memory_space<vmem>>) offsets(%dma_start3A_40 : memref<128xi32, #tpu.memory_space<vmem>>) semaphore(%arg23 : memref<!tpu.dma_semaphore, #tpu.memory_space<semaphore_mem>>)
    %dma_start3A_43 = arith.constant 128 : i32
    %dma_start3A_44 = arith.constant 0 : i32
    %dma_start3A_45 = tpu.memref_slice %arg18[%dma_start3A_43, %dma_start3A_44] : memref<512x128xf32, #tpu.memory_space<vmem>> -> memref<128x128xf32, #tpu.memory_space<vmem>>
    %dma_start3A_46 = arith.constant 128 : i32
    %dma_start3A_47 = tpu.memref_slice %arg13[%dma_start3A_46] : memref<512xi32, #tpu.memory_space<vmem>> -> memref<128xi32, #tpu.memory_space<vmem>>
    %dma_start3A_48 = arith.constant 0 : i32
    %dma_start3A_49 = arith.constant 0 : i32
    %dma_start3A_50 = tpu.memref_slice %arg6[%dma_start3A_48, %dma_start3A_49] : memref<25000x128xf32, #tpu.memory_space<hbm>> -> memref<25000x128xf32, #tpu.memory_space<hbm>>
    tpu.enqueue_indirect_dma source(%dma_start3A_50 : memref<25000x128xf32, #tpu.memory_space<hbm>>) target(%dma_start3A_45 : memref<128x128xf32, #tpu.memory_space<vmem>>) offsets(%dma_start3A_47 : memref<128xi32, #tpu.memory_space<vmem>>) semaphore(%arg23 : memref<!tpu.dma_semaphore, #tpu.memory_space<semaphore_mem>>)
    %dma_start3A_51 = arith.constant 256 : i32
    %dma_start3A_52 = tpu.memref_slice %arg19[%dma_start3A_51] : memref<512xf32, #tpu.memory_space<vmem>> -> memref<128xf32, #tpu.memory_space<vmem>>
    %dma_start3A_53 = arith.constant 256 : i32
    %dma_start3A_54 = tpu.memref_slice %arg9[%dma_start3A_53] : memref<512xi32, #tpu.memory_space<vmem>> -> memref<128xi32, #tpu.memory_space<vmem>>
    %dma_start3A_55 = arith.constant 0 : i32
    %dma_start3A_56 = tpu.memref_slice %arg5[%dma_start3A_55] : memref<1000000xf32, #tpu.memory_space<hbm>> -> memref<1000000xf32, #tpu.memory_space<hbm>>
    tpu.enqueue_indirect_dma source(%dma_start3A_56 : memref<1000000xf32, #tpu.memory_space<hbm>>) target(%dma_start3A_52 : memref<128xf32, #tpu.memory_space<vmem>>) offsets(%dma_start3A_54 : memref<128xi32, #tpu.memory_space<vmem>>) semaphore(%arg23 : memref<!tpu.dma_semaphore, #tpu.memory_space<semaphore_mem>>)
    %dma_start3A_57 = arith.constant 256 : i32
    %dma_start3A_58 = tpu.memref_slice %arg20[%dma_start3A_57] : memref<512xf32, #tpu.memory_space<vmem>> -> memref<128xf32, #tpu.memory_space<vmem>>
    %dma_start3A_59 = arith.constant 256 : i32
    %dma_start3A_60 = tpu.memref_slice %arg10[%dma_start3A_59] : memref<512xi32, #tpu.memory_space<vmem>> -> memref<128xi32, #tpu.memory_space<vmem>>
    %dma_start3A_61 = arith.constant 0 : i32
    %dma_start3A_62 = tpu.memref_slice %arg7[%dma_start3A_61] : memref<100000xf32, #tpu.memory_space<hbm>> -> memref<100000xf32, #tpu.memory_space<hbm>>
    tpu.enqueue_indirect_dma source(%dma_start3A_62 : memref<100000xf32, #tpu.memory_space<hbm>>) target(%dma_start3A_58 : memref<128xf32, #tpu.memory_space<vmem>>) offsets(%dma_start3A_60 : memref<128xi32, #tpu.memory_space<vmem>>) semaphore(%arg23 : memref<!tpu.dma_semaphore, #tpu.memory_space<semaphore_mem>>)
    %dma_start3A_63 = arith.constant 256 : i32
    %dma_start3A_64 = arith.constant 0 : i32
    %dma_start3A_65 = tpu.memref_slice %arg18[%dma_start3A_63, %dma_start3A_64] : memref<512x128xf32, #tpu.memory_space<vmem>> -> memref<128x128xf32, #tpu.memory_space<vmem>>
    %dma_start3A_66 = arith.constant 256 : i32
    %dma_start3A_67 = tpu.memref_slice %arg13[%dma_start3A_66] : memref<512xi32, #tpu.memory_space<vmem>> -> memref<128xi32, #tpu.memory_space<vmem>>
    %dma_start3A_68 = arith.constant 0 : i32
    %dma_start3A_69 = arith.constant 0 : i32
    %dma_start3A_70 = tpu.memref_slice %arg6[%dma_start3A_68, %dma_start3A_69] : memref<25000x128xf32, #tpu.memory_space<hbm>> -> memref<25000x128xf32, #tpu.memory_space<hbm>>
    tpu.enqueue_indirect_dma source(%dma_start3A_70 : memref<25000x128xf32, #tpu.memory_space<hbm>>) target(%dma_start3A_65 : memref<128x128xf32, #tpu.memory_space<vmem>>) offsets(%dma_start3A_67 : memref<128xi32, #tpu.memory_space<vmem>>) semaphore(%arg23 : memref<!tpu.dma_semaphore, #tpu.memory_space<semaphore_mem>>)
    %dma_start3A_71 = arith.constant 384 : i32
    %dma_start3A_72 = tpu.memref_slice %arg19[%dma_start3A_71] : memref<512xf32, #tpu.memory_space<vmem>> -> memref<128xf32, #tpu.memory_space<vmem>>
    %dma_start3A_73 = arith.constant 384 : i32
    %dma_start3A_74 = tpu.memref_slice %arg9[%dma_start3A_73] : memref<512xi32, #tpu.memory_space<vmem>> -> memref<128xi32, #tpu.memory_space<vmem>>
    %dma_start3A_75 = arith.constant 0 : i32
    %dma_start3A_76 = tpu.memref_slice %arg5[%dma_start3A_75] : memref<1000000xf32, #tpu.memory_space<hbm>> -> memref<1000000xf32, #tpu.memory_space<hbm>>
    tpu.enqueue_indirect_dma source(%dma_start3A_76 : memref<1000000xf32, #tpu.memory_space<hbm>>) target(%dma_start3A_72 : memref<128xf32, #tpu.memory_space<vmem>>) offsets(%dma_start3A_74 : memref<128xi32, #tpu.memory_space<vmem>>) semaphore(%arg23 : memref<!tpu.dma_semaphore, #tpu.memory_space<semaphore_mem>>)
    %dma_start3A_77 = arith.constant 384 : i32
    %dma_start3A_78 = tpu.memref_slice %arg20[%dma_start3A_77] : memref<512xf32, #tpu.memory_space<vmem>> -> memref<128xf32, #tpu.memory_space<vmem>>
    %dma_start3A_79 = arith.constant 384 : i32
    %dma_start3A_80 = tpu.memref_slice %arg10[%dma_start3A_79] : memref<512xi32, #tpu.memory_space<vmem>> -> memref<128xi32, #tpu.memory_space<vmem>>
    %dma_start3A_81 = arith.constant 0 : i32
    %dma_start3A_82 = tpu.memref_slice %arg7[%dma_start3A_81] : memref<100000xf32, #tpu.memory_space<hbm>> -> memref<100000xf32, #tpu.memory_space<hbm>>
    tpu.enqueue_indirect_dma source(%dma_start3A_82 : memref<100000xf32, #tpu.memory_space<hbm>>) target(%dma_start3A_78 : memref<128xf32, #tpu.memory_space<vmem>>) offsets(%dma_start3A_80 : memref<128xi32, #tpu.memory_space<vmem>>) semaphore(%arg23 : memref<!tpu.dma_semaphore, #tpu.memory_space<semaphore_mem>>)
    %dma_start3A_83 = arith.constant 384 : i32
    %dma_start3A_84 = arith.constant 0 : i32
    %dma_start3A_85 = tpu.memref_slice %arg18[%dma_start3A_83, %dma_start3A_84] : memref<512x128xf32, #tpu.memory_space<vmem>> -> memref<128x128xf32, #tpu.memory_space<vmem>>
    %dma_start3A_86 = arith.constant 384 : i32
    %dma_start3A_87 = tpu.memref_slice %arg13[%dma_start3A_86] : memref<512xi32, #tpu.memory_space<vmem>> -> memref<128xi32, #tpu.memory_space<vmem>>
    %dma_start3A_88 = arith.constant 0 : i32
    %dma_start3A_89 = arith.constant 0 : i32
    %dma_start3A_90 = tpu.memref_slice %arg6[%dma_start3A_88, %dma_start3A_89] : memref<25000x128xf32, #tpu.memory_space<hbm>> -> memref<25000x128xf32, #tpu.memory_space<hbm>>
    tpu.enqueue_indirect_dma source(%dma_start3A_90 : memref<25000x128xf32, #tpu.memory_space<hbm>>) target(%dma_start3A_85 : memref<128x128xf32, #tpu.memory_space<vmem>>) offsets(%dma_start3A_87 : memref<128xi32, #tpu.memory_space<vmem>>) semaphore(%arg23 : memref<!tpu.dma_semaphore, #tpu.memory_space<semaphore_mem>>)
    %get3A = arith.constant 0 : i32
    %get3A_91 = arith.index_cast %get3A : i32 to index
    %get3A_92 = memref.load %arg14[%get3A_91] : memref<512xi32, #tpu.memory_space<smem>>
    %mul3A_93 = arith.constant 128 : i32
    %mul3A_94 = arith.muli %get3A_92, %mul3A_93 : i32
    %multiple_of3A = tpu.assume_multiple %mul3A_94, 128 : i32
    %dma_start3A_95 = arith.constant 0 : i32
    %dma_start3A_96 = arith.constant 0 : i32
    %dma_start3A_97 = arith.constant 0 : i32
    %dma_start3A_98 = arith.constant 0 : i32
    %dma_start3A_99 = tpu.memref_slice %arg16[%dma_start3A_95, %dma_start3A_97, %dma_start3A_98] : memref<8x32x128xf32, #tpu.memory_space<vmem>> -> memref<1x32x128xf32, #tpu.memory_space<vmem>>
    %dma_start3A_100 = tpu.memref_squeeze %dma_start3A_99 : memref<1x32x128xf32, #tpu.memory_space<vmem>> -> memref<32x128xf32, #tpu.memory_space<vmem>>
    %dma_start3A_101 = arith.constant 0 : i32
    %dma_start3A_102 = tpu.memref_slice %arg4[%dma_start3A_101, %multiple_of3A] : memref<32x1000000xf32, #tpu.memory_space<hbm>> -> memref<32x128xf32, #tpu.memory_space<hbm>>
    %dma_start3A_103 = tpu.memref_slice %arg22[%dma_start3A_96] : memref<8x!tpu.dma_semaphore, #tpu.memory_space<semaphore_mem>> -> memref<1x!tpu.dma_semaphore, #tpu.memory_space<semaphore_mem>>
    %dma_start3A_104 = tpu.memref_squeeze %dma_start3A_103 : memref<1x!tpu.dma_semaphore, #tpu.memory_space<semaphore_mem>> -> memref<!tpu.dma_semaphore, #tpu.memory_space<semaphore_mem>>
    %dma_start3A_105 = arith.constant 0 : i32
    %dma_start3A_106 = arith.constant 0 : i32
    %dma_start3A_107 = tpu.memref_slice %arg16[%dma_start3A_95, %dma_start3A_105, %dma_start3A_106] : memref<8x32x128xf32, #tpu.memory_space<vmem>> -> memref<1x32x128xf32, #tpu.memory_space<vmem>>
    %dma_start3A_108 = tpu.memref_squeeze %dma_start3A_107 : memref<1x32x128xf32, #tpu.memory_space<vmem>> -> memref<32x128xf32, #tpu.memory_space<vmem>>
    %dma_start3A_109 = arith.constant 0 : i32
    %dma_start3A_110 = tpu.memref_slice %arg4[%dma_start3A_109, %multiple_of3A] : memref<32x1000000xf32, #tpu.memory_space<hbm>> -> memref<32x128xf32, #tpu.memory_space<hbm>>
    tpu.enqueue_dma source(%dma_start3A_110 : memref<32x128xf32, #tpu.memory_space<hbm>>) target(%dma_start3A_108 : memref<32x128xf32, #tpu.memory_space<vmem>>) target_semaphore(%dma_start3A_104 : memref<!tpu.dma_semaphore, #tpu.memory_space<semaphore_mem>>)
    %get3A_111 = arith.constant 1 : i32
    %get3A_112 = arith.index_cast %get3A_111 : i32 to index
    %get3A_113 = memref.load %arg14[%get3A_112] : memref<512xi32, #tpu.memory_space<smem>>
    %mul3A_114 = arith.constant 128 : i32
    %mul3A_115 = arith.muli %get3A_113, %mul3A_114 : i32
    %multiple_of3A_116 = tpu.assume_multiple %mul3A_115, 128 : i32
    %dma_start3A_117 = arith.constant 1 : i32
    %dma_start3A_118 = arith.constant 1 : i32
    %dma_start3A_119 = arith.constant 0 : i32
    %dma_start3A_120 = arith.constant 0 : i32
    %dma_start3A_121 = tpu.memref_slice %arg16[%dma_start3A_117, %dma_start3A_119, %dma_start3A_120] : memref<8x32x128xf32, #tpu.memory_space<vmem>> -> memref<1x32x128xf32, #tpu.memory_space<vmem>>
    %dma_start3A_122 = tpu.memref_squeeze %dma_start3A_121 : memref<1x32x128xf32, #tpu.memory_space<vmem>> -> memref<32x128xf32, #tpu.memory_space<vmem>>
    %dma_start3A_123 = arith.constant 0 : i32
    %dma_start3A_124 = tpu.memref_slice %arg4[%dma_start3A_123, %multiple_of3A_116] : memref<32x1000000xf32, #tpu.memory_space<hbm>> -> memref<32x128xf32, #tpu.memory_space<hbm>>
    %dma_start3A_125 = tpu.memref_slice %arg22[%dma_start3A_118] : memref<8x!tpu.dma_semaphore, #tpu.memory_space<semaphore_mem>> -> memref<1x!tpu.dma_semaphore, #tpu.memory_space<semaphore_mem>>
    %dma_start3A_126 = tpu.memref_squeeze %dma_start3A_125 : memref<1x!tpu.dma_semaphore, #tpu.memory_space<semaphore_mem>> -> memref<!tpu.dma_semaphore, #tpu.memory_space<semaphore_mem>>
    %dma_start3A_127 = arith.constant 0 : i32
    %dma_start3A_128 = arith.constant 0 : i32
    %dma_start3A_129 = tpu.memref_slice %arg16[%dma_start3A_117, %dma_start3A_127, %dma_start3A_128] : memref<8x32x128xf32, #tpu.memory_space<vmem>> -> memref<1x32x128xf32, #tpu.memory_space<vmem>>
    %dma_start3A_130 = tpu.memref_squeeze %dma_start3A_129 : memref<1x32x128xf32, #tpu.memory_space<vmem>> -> memref<32x128xf32, #tpu.memory_space<vmem>>
    %dma_start3A_131 = arith.constant 0 : i32
    %dma_start3A_132 = tpu.memref_slice %arg4[%dma_start3A_131, %multiple_of3A_116] : memref<32x1000000xf32, #tpu.memory_space<hbm>> -> memref<32x128xf32, #tpu.memory_space<hbm>>
    tpu.enqueue_dma source(%dma_start3A_132 : memref<32x128xf32, #tpu.memory_space<hbm>>) target(%dma_start3A_130 : memref<32x128xf32, #tpu.memory_space<vmem>>) target_semaphore(%dma_start3A_126 : memref<!tpu.dma_semaphore, #tpu.memory_space<semaphore_mem>>)
    %get3A_133 = arith.constant 2 : i32
    %get3A_134 = arith.index_cast %get3A_133 : i32 to index
    %get3A_135 = memref.load %arg14[%get3A_134] : memref<512xi32, #tpu.memory_space<smem>>
    %mul3A_136 = arith.constant 128 : i32
    %mul3A_137 = arith.muli %get3A_135, %mul3A_136 : i32
    %multiple_of3A_138 = tpu.assume_multiple %mul3A_137, 128 : i32
    %dma_start3A_139 = arith.constant 2 : i32
    %dma_start3A_140 = arith.constant 2 : i32
    %dma_start3A_141 = arith.constant 0 : i32
    %dma_start3A_142 = arith.constant 0 : i32
    %dma_start3A_143 = tpu.memref_slice %arg16[%dma_start3A_139, %dma_start3A_141, %dma_start3A_142] : memref<8x32x128xf32, #tpu.memory_space<vmem>> -> memref<1x32x128xf32, #tpu.memory_space<vmem>>
    %dma_start3A_144 = tpu.memref_squeeze %dma_start3A_143 : memref<1x32x128xf32, #tpu.memory_space<vmem>> -> memref<32x128xf32, #tpu.memory_space<vmem>>
    %dma_start3A_145 = arith.constant 0 : i32
    %dma_start3A_146 = tpu.memref_slice %arg4[%dma_start3A_145, %multiple_of3A_138] : memref<32x1000000xf32, #tpu.memory_space<hbm>> -> memref<32x128xf32, #tpu.memory_space<hbm>>
    %dma_start3A_147 = tpu.memref_slice %arg22[%dma_start3A_140] : memref<8x!tpu.dma_semaphore, #tpu.memory_space<semaphore_mem>> -> memref<1x!tpu.dma_semaphore, #tpu.memory_space<semaphore_mem>>
    %dma_start3A_148 = tpu.memref_squeeze %dma_start3A_147 : memref<1x!tpu.dma_semaphore, #tpu.memory_space<semaphore_mem>> -> memref<!tpu.dma_semaphore, #tpu.memory_space<semaphore_mem>>
    %dma_start3A_149 = arith.constant 0 : i32
    %dma_start3A_150 = arith.constant 0 : i32
    %dma_start3A_151 = tpu.memref_slice %arg16[%dma_start3A_139, %dma_start3A_149, %dma_start3A_150] : memref<8x32x128xf32, #tpu.memory_space<vmem>> -> memref<1x32x128xf32, #tpu.memory_space<vmem>>
    %dma_start3A_152 = tpu.memref_squeeze %dma_start3A_151 : memref<1x32x128xf32, #tpu.memory_space<vmem>> -> memref<32x128xf32, #tpu.memory_space<vmem>>
    %dma_start3A_153 = arith.constant 0 : i32
    %dma_start3A_154 = tpu.memref_slice %arg4[%dma_start3A_153, %multiple_of3A_138] : memref<32x1000000xf32, #tpu.memory_space<hbm>> -> memref<32x128xf32, #tpu.memory_space<hbm>>
    tpu.enqueue_dma source(%dma_start3A_154 : memref<32x128xf32, #tpu.memory_space<hbm>>) target(%dma_start3A_152 : memref<32x128xf32, #tpu.memory_space<vmem>>) target_semaphore(%dma_start3A_148 : memref<!tpu.dma_semaphore, #tpu.memory_space<semaphore_mem>>)
    %get3A_155 = arith.constant 3 : i32
    %get3A_156 = arith.index_cast %get3A_155 : i32 to index
    %get3A_157 = memref.load %arg14[%get3A_156] : memref<512xi32, #tpu.memory_space<smem>>
    %mul3A_158 = arith.constant 128 : i32
    %mul3A_159 = arith.muli %get3A_157, %mul3A_158 : i32
    %multiple_of3A_160 = tpu.assume_multiple %mul3A_159, 128 : i32
    %dma_start3A_161 = arith.constant 3 : i32
    %dma_start3A_162 = arith.constant 3 : i32
    %dma_start3A_163 = arith.constant 0 : i32
    %dma_start3A_164 = arith.constant 0 : i32
    %dma_start3A_165 = tpu.memref_slice %arg16[%dma_start3A_161, %dma_start3A_163, %dma_start3A_164] : memref<8x32x128xf32, #tpu.memory_space<vmem>> -> memref<1x32x128xf32, #tpu.memory_space<vmem>>
    %dma_start3A_166 = tpu.memref_squeeze %dma_start3A_165 : memref<1x32x128xf32, #tpu.memory_space<vmem>> -> memref<32x128xf32, #tpu.memory_space<vmem>>
    %dma_start3A_167 = arith.constant 0 : i32
    %dma_start3A_168 = tpu.memref_slice %arg4[%dma_start3A_167, %multiple_of3A_160] : memref<32x1000000xf32, #tpu.memory_space<hbm>> -> memref<32x128xf32, #tpu.memory_space<hbm>>
    %dma_start3A_169 = tpu.memref_slice %arg22[%dma_start3A_162] : memref<8x!tpu.dma_semaphore, #tpu.memory_space<semaphore_mem>> -> memref<1x!tpu.dma_semaphore, #tpu.memory_space<semaphore_mem>>
    %dma_start3A_170 = tpu.memref_squeeze %dma_start3A_169 : memref<1x!tpu.dma_semaphore, #tpu.memory_space<semaphore_mem>> -> memref<!tpu.dma_semaphore, #tpu.memory_space<semaphore_mem>>
    %dma_start3A_171 = arith.constant 0 : i32
    %dma_start3A_172 = arith.constant 0 : i32
    %dma_start3A_173 = tpu.memref_slice %arg16[%dma_start3A_161, %dma_start3A_171, %dma_start3A_172] : memref<8x32x128xf32, #tpu.memory_space<vmem>> -> memref<1x32x128xf32, #tpu.memory_space<vmem>>
    %dma_start3A_174 = tpu.memref_squeeze %dma_start3A_173 : memref<1x32x128xf32, #tpu.memory_space<vmem>> -> memref<32x128xf32, #tpu.memory_space<vmem>>
    %dma_start3A_175 = arith.constant 0 : i32
    %dma_start3A_176 = tpu.memref_slice %arg4[%dma_start3A_175, %multiple_of3A_160] : memref<32x1000000xf32, #tpu.memory_space<hbm>> -> memref<32x128xf32, #tpu.memory_space<hbm>>
    tpu.enqueue_dma source(%dma_start3A_176 : memref<32x128xf32, #tpu.memory_space<hbm>>) target(%dma_start3A_174 : memref<32x128xf32, #tpu.memory_space<vmem>>) target_semaphore(%dma_start3A_170 : memref<!tpu.dma_semaphore, #tpu.memory_space<semaphore_mem>>)
    %get3A_177 = arith.constant 4 : i32
    %get3A_178 = arith.index_cast %get3A_177 : i32 to index
    %get3A_179 = memref.load %arg14[%get3A_178] : memref<512xi32, #tpu.memory_space<smem>>
    %mul3A_180 = arith.constant 128 : i32
    %mul3A_181 = arith.muli %get3A_179, %mul3A_180 : i32
    %multiple_of3A_182 = tpu.assume_multiple %mul3A_181, 128 : i32
    %dma_start3A_183 = arith.constant 4 : i32
    %dma_start3A_184 = arith.constant 4 : i32
    %dma_start3A_185 = arith.constant 0 : i32
    %dma_start3A_186 = arith.constant 0 : i32
    %dma_start3A_187 = tpu.memref_slice %arg16[%dma_start3A_183, %dma_start3A_185, %dma_start3A_186] : memref<8x32x128xf32, #tpu.memory_space<vmem>> -> memref<1x32x128xf32, #tpu.memory_space<vmem>>
    %dma_start3A_188 = tpu.memref_squeeze %dma_start3A_187 : memref<1x32x128xf32, #tpu.memory_space<vmem>> -> memref<32x128xf32, #tpu.memory_space<vmem>>
    %dma_start3A_189 = arith.constant 0 : i32
    %dma_start3A_190 = tpu.memref_slice %arg4[%dma_start3A_189, %multiple_of3A_182] : memref<32x1000000xf32, #tpu.memory_space<hbm>> -> memref<32x128xf32, #tpu.memory_space<hbm>>
    %dma_start3A_191 = tpu.memref_slice %arg22[%dma_start3A_184] : memref<8x!tpu.dma_semaphore, #tpu.memory_space<semaphore_mem>> -> memref<1x!tpu.dma_semaphore, #tpu.memory_space<semaphore_mem>>
    %dma_start3A_192 = tpu.memref_squeeze %dma_start3A_191 : memref<1x!tpu.dma_semaphore, #tpu.memory_space<semaphore_mem>> -> memref<!tpu.dma_semaphore, #tpu.memory_space<semaphore_mem>>
    %dma_start3A_193 = arith.constant 0 : i32
    %dma_start3A_194 = arith.constant 0 : i32
    %dma_start3A_195 = tpu.memref_slice %arg16[%dma_start3A_183, %dma_start3A_193, %dma_start3A_194] : memref<8x32x128xf32, #tpu.memory_space<vmem>> -> memref<1x32x128xf32, #tpu.memory_space<vmem>>
    %dma_start3A_196 = tpu.memref_squeeze %dma_start3A_195 : memref<1x32x128xf32, #tpu.memory_space<vmem>> -> memref<32x128xf32, #tpu.memory_space<vmem>>
    %dma_start3A_197 = arith.constant 0 : i32
    %dma_start3A_198 = tpu.memref_slice %arg4[%dma_start3A_197, %multiple_of3A_182] : memref<32x1000000xf32, #tpu.memory_space<hbm>> -> memref<32x128xf32, #tpu.memory_space<hbm>>
    tpu.enqueue_dma source(%dma_start3A_198 : memref<32x128xf32, #tpu.memory_space<hbm>>) target(%dma_start3A_196 : memref<32x128xf32, #tpu.memory_space<vmem>>) target_semaphore(%dma_start3A_192 : memref<!tpu.dma_semaphore, #tpu.memory_space<semaphore_mem>>)
    %get3A_199 = arith.constant 5 : i32
    %get3A_200 = arith.index_cast %get3A_199 : i32 to index
    %get3A_201 = memref.load %arg14[%get3A_200] : memref<512xi32, #tpu.memory_space<smem>>
    %mul3A_202 = arith.constant 128 : i32
    %mul3A_203 = arith.muli %get3A_201, %mul3A_202 : i32
    %multiple_of3A_204 = tpu.assume_multiple %mul3A_203, 128 : i32
    %dma_start3A_205 = arith.constant 5 : i32
    %dma_start3A_206 = arith.constant 5 : i32
    %dma_start3A_207 = arith.constant 0 : i32
    %dma_start3A_208 = arith.constant 0 : i32
    %dma_start3A_209 = tpu.memref_slice %arg16[%dma_start3A_205, %dma_start3A_207, %dma_start3A_208] : memref<8x32x128xf32, #tpu.memory_space<vmem>> -> memref<1x32x128xf32, #tpu.memory_space<vmem>>
    %dma_start3A_210 = tpu.memref_squeeze %dma_start3A_209 : memref<1x32x128xf32, #tpu.memory_space<vmem>> -> memref<32x128xf32, #tpu.memory_space<vmem>>
    %dma_start3A_211 = arith.constant 0 : i32
    %dma_start3A_212 = tpu.memref_slice %arg4[%dma_start3A_211, %multiple_of3A_204] : memref<32x1000000xf32, #tpu.memory_space<hbm>> -> memref<32x128xf32, #tpu.memory_space<hbm>>
    %dma_start3A_213 = tpu.memref_slice %arg22[%dma_start3A_206] : memref<8x!tpu.dma_semaphore, #tpu.memory_space<semaphore_mem>> -> memref<1x!tpu.dma_semaphore, #tpu.memory_space<semaphore_mem>>
    %dma_start3A_214 = tpu.memref_squeeze %dma_start3A_213 : memref<1x!tpu.dma_semaphore, #tpu.memory_space<semaphore_mem>> -> memref<!tpu.dma_semaphore, #tpu.memory_space<semaphore_mem>>
    %dma_start3A_215 = arith.constant 0 : i32
    %dma_start3A_216 = arith.constant 0 : i32
    %dma_start3A_217 = tpu.memref_slice %arg16[%dma_start3A_205, %dma_start3A_215, %dma_start3A_216] : memref<8x32x128xf32, #tpu.memory_space<vmem>> -> memref<1x32x128xf32, #tpu.memory_space<vmem>>
    %dma_start3A_218 = tpu.memref_squeeze %dma_start3A_217 : memref<1x32x128xf32, #tpu.memory_space<vmem>> -> memref<32x128xf32, #tpu.memory_space<vmem>>
    %dma_start3A_219 = arith.constant 0 : i32
    %dma_start3A_220 = tpu.memref_slice %arg4[%dma_start3A_219, %multiple_of3A_204] : memref<32x1000000xf32, #tpu.memory_space<hbm>> -> memref<32x128xf32, #tpu.memory_space<hbm>>
    tpu.enqueue_dma source(%dma_start3A_220 : memref<32x128xf32, #tpu.memory_space<hbm>>) target(%dma_start3A_218 : memref<32x128xf32, #tpu.memory_space<vmem>>) target_semaphore(%dma_start3A_214 : memref<!tpu.dma_semaphore, #tpu.memory_space<semaphore_mem>>)
    %get3A_221 = arith.constant 6 : i32
    %get3A_222 = arith.index_cast %get3A_221 : i32 to index
    %get3A_223 = memref.load %arg14[%get3A_222] : memref<512xi32, #tpu.memory_space<smem>>
    %mul3A_224 = arith.constant 128 : i32
    %mul3A_225 = arith.muli %get3A_223, %mul3A_224 : i32
    %multiple_of3A_226 = tpu.assume_multiple %mul3A_225, 128 : i32
    %dma_start3A_227 = arith.constant 6 : i32
    %dma_start3A_228 = arith.constant 6 : i32
    %dma_start3A_229 = arith.constant 0 : i32
    %dma_start3A_230 = arith.constant 0 : i32
    %dma_start3A_231 = tpu.memref_slice %arg16[%dma_start3A_227, %dma_start3A_229, %dma_start3A_230] : memref<8x32x128xf32, #tpu.memory_space<vmem>> -> memref<1x32x128xf32, #tpu.memory_space<vmem>>
    %dma_start3A_232 = tpu.memref_squeeze %dma_start3A_231 : memref<1x32x128xf32, #tpu.memory_space<vmem>> -> memref<32x128xf32, #tpu.memory_space<vmem>>
    %dma_start3A_233 = arith.constant 0 : i32
    %dma_start3A_234 = tpu.memref_slice %arg4[%dma_start3A_233, %multiple_of3A_226] : memref<32x1000000xf32, #tpu.memory_space<hbm>> -> memref<32x128xf32, #tpu.memory_space<hbm>>
    %dma_start3A_235 = tpu.memref_slice %arg22[%dma_start3A_228] : memref<8x!tpu.dma_semaphore, #tpu.memory_space<semaphore_mem>> -> memref<1x!tpu.dma_semaphore, #tpu.memory_space<semaphore_mem>>
    %dma_start3A_236 = tpu.memref_squeeze %dma_start3A_235 : memref<1x!tpu.dma_semaphore, #tpu.memory_space<semaphore_mem>> -> memref<!tpu.dma_semaphore, #tpu.memory_space<semaphore_mem>>
    %dma_start3A_237 = arith.constant 0 : i32
    %dma_start3A_238 = arith.constant 0 : i32
    %dma_start3A_239 = tpu.memref_slice %arg16[%dma_start3A_227, %dma_start3A_237, %dma_start3A_238] : memref<8x32x128xf32, #tpu.memory_space<vmem>> -> memref<1x32x128xf32, #tpu.memory_space<vmem>>
    %dma_start3A_240 = tpu.memref_squeeze %dma_start3A_239 : memref<1x32x128xf32, #tpu.memory_space<vmem>> -> memref<32x128xf32, #tpu.memory_space<vmem>>
    %dma_start3A_241 = arith.constant 0 : i32
    %dma_start3A_242 = tpu.memref_slice %arg4[%dma_start3A_241, %multiple_of3A_226] : memref<32x1000000xf32, #tpu.memory_space<hbm>> -> memref<32x128xf32, #tpu.memory_space<hbm>>
    tpu.enqueue_dma source(%dma_start3A_242 : memref<32x128xf32, #tpu.memory_space<hbm>>) target(%dma_start3A_240 : memref<32x128xf32, #tpu.memory_space<vmem>>) target_semaphore(%dma_start3A_236 : memref<!tpu.dma_semaphore, #tpu.memory_space<semaphore_mem>>)
    %get3A_243 = arith.constant 7 : i32
    %get3A_244 = arith.index_cast %get3A_243 : i32 to index
    %get3A_245 = memref.load %arg14[%get3A_244] : memref<512xi32, #tpu.memory_space<smem>>
    %mul3A_246 = arith.constant 128 : i32
    %mul3A_247 = arith.muli %get3A_245, %mul3A_246 : i32
    %multiple_of3A_248 = tpu.assume_multiple %mul3A_247, 128 : i32
    %dma_start3A_249 = arith.constant 7 : i32
    %dma_start3A_250 = arith.constant 7 : i32
    %dma_start3A_251 = arith.constant 0 : i32
    %dma_start3A_252 = arith.constant 0 : i32
    %dma_start3A_253 = tpu.memref_slice %arg16[%dma_start3A_249, %dma_start3A_251, %dma_start3A_252] : memref<8x32x128xf32, #tpu.memory_space<vmem>> -> memref<1x32x128xf32, #tpu.memory_space<vmem>>
    %dma_start3A_254 = tpu.memref_squeeze %dma_start3A_253 : memref<1x32x128xf32, #tpu.memory_space<vmem>> -> memref<32x128xf32, #tpu.memory_space<vmem>>
    %dma_start3A_255 = arith.constant 0 : i32
    %dma_start3A_256 = tpu.memref_slice %arg4[%dma_start3A_255, %multiple_of3A_248] : memref<32x1000000xf32, #tpu.memory_space<hbm>> -> memref<32x128xf32, #tpu.memory_space<hbm>>
    %dma_start3A_257 = tpu.memref_slice %arg22[%dma_start3A_250] : memref<8x!tpu.dma_semaphore, #tpu.memory_space<semaphore_mem>> -> memref<1x!tpu.dma_semaphore, #tpu.memory_space<semaphore_mem>>
    %dma_start3A_258 = tpu.memref_squeeze %dma_start3A_257 : memref<1x!tpu.dma_semaphore, #tpu.memory_space<semaphore_mem>> -> memref<!tpu.dma_semaphore, #tpu.memory_space<semaphore_mem>>
    %dma_start3A_259 = arith.constant 0 : i32
    %dma_start3A_260 = arith.constant 0 : i32
    %dma_start3A_261 = tpu.memref_slice %arg16[%dma_start3A_249, %dma_start3A_259, %dma_start3A_260] : memref<8x32x128xf32, #tpu.memory_space<vmem>> -> memref<1x32x128xf32, #tpu.memory_space<vmem>>
    %dma_start3A_262 = tpu.memref_squeeze %dma_start3A_261 : memref<1x32x128xf32, #tpu.memory_space<vmem>> -> memref<32x128xf32, #tpu.memory_space<vmem>>
    %dma_start3A_263 = arith.constant 0 : i32
    %dma_start3A_264 = tpu.memref_slice %arg4[%dma_start3A_263, %multiple_of3A_248] : memref<32x1000000xf32, #tpu.memory_space<hbm>> -> memref<32x128xf32, #tpu.memory_space<hbm>>
    tpu.enqueue_dma source(%dma_start3A_264 : memref<32x128xf32, #tpu.memory_space<hbm>>) target(%dma_start3A_262 : memref<32x128xf32, #tpu.memory_space<vmem>>) target_semaphore(%dma_start3A_258 : memref<!tpu.dma_semaphore, #tpu.memory_space<semaphore_mem>>)
    %iota3A = tpu.iota {dimensions = array<i32: 0>} : vector<16xi32>
    %dma_wait3A = arith.constant 0 : i32
    %dma_wait3A_265 = tpu.memref_slice %arg19[%dma_wait3A] : memref<512xf32, #tpu.memory_space<vmem>> -> memref<128xf32, #tpu.memory_space<vmem>>
    %dma_wait3A_266 = arith.constant 0 : i32
    %dma_wait3A_267 = tpu.memref_slice %arg9[%dma_wait3A_266] : memref<512xi32, #tpu.memory_space<vmem>> -> memref<128xi32, #tpu.memory_space<vmem>>
    %dma_wait3A_268 = arith.constant 0 : i32
    %dma_wait3A_269 = tpu.memref_slice %arg5[%dma_wait3A_268] : memref<1000000xf32, #tpu.memory_space<hbm>> -> memref<1000000xf32, #tpu.memory_space<hbm>>
    tpu.wait_indirect_dma semaphore(%arg23 : memref<!tpu.dma_semaphore, #tpu.memory_space<semaphore_mem>>) src(%dma_wait3A_269 : memref<1000000xf32, #tpu.memory_space<hbm>>) dst(%dma_wait3A_265 : memref<128xf32, #tpu.memory_space<vmem>>)
    %dma_wait3A_270 = arith.constant 0 : i32
    %dma_wait3A_271 = tpu.memref_slice %arg20[%dma_wait3A_270] : memref<512xf32, #tpu.memory_space<vmem>> -> memref<128xf32, #tpu.memory_space<vmem>>
    %dma_wait3A_272 = arith.constant 0 : i32
    %dma_wait3A_273 = tpu.memref_slice %arg10[%dma_wait3A_272] : memref<512xi32, #tpu.memory_space<vmem>> -> memref<128xi32, #tpu.memory_space<vmem>>
    %dma_wait3A_274 = arith.constant 0 : i32
    %dma_wait3A_275 = tpu.memref_slice %arg7[%dma_wait3A_274] : memref<100000xf32, #tpu.memory_space<hbm>> -> memref<100000xf32, #tpu.memory_space<hbm>>
    tpu.wait_indirect_dma semaphore(%arg23 : memref<!tpu.dma_semaphore, #tpu.memory_space<semaphore_mem>>) src(%dma_wait3A_275 : memref<100000xf32, #tpu.memory_space<hbm>>) dst(%dma_wait3A_271 : memref<128xf32, #tpu.memory_space<vmem>>)
    %dma_wait3A_276 = arith.constant 0 : i32
    %dma_wait3A_277 = arith.constant 0 : i32
    %dma_wait3A_278 = tpu.memref_slice %arg18[%dma_wait3A_276, %dma_wait3A_277] : memref<512x128xf32, #tpu.memory_space<vmem>> -> memref<128x128xf32, #tpu.memory_space<vmem>>
    %dma_wait3A_279 = arith.constant 0 : i32
    %dma_wait3A_280 = tpu.memref_slice %arg13[%dma_wait3A_279] : memref<512xi32, #tpu.memory_space<vmem>> -> memref<128xi32, #tpu.memory_space<vmem>>
    %dma_wait3A_281 = arith.constant 0 : i32
    %dma_wait3A_282 = arith.constant 0 : i32
    %dma_wait3A_283 = tpu.memref_slice %arg6[%dma_wait3A_281, %dma_wait3A_282] : memref<25000x128xf32, #tpu.memory_space<hbm>> -> memref<25000x128xf32, #tpu.memory_space<hbm>>
    tpu.wait_indirect_dma semaphore(%arg23 : memref<!tpu.dma_semaphore, #tpu.memory_space<semaphore_mem>>) src(%dma_wait3A_283 : memref<25000x128xf32, #tpu.memory_space<hbm>>) dst(%dma_wait3A_278 : memref<128x128xf32, #tpu.memory_space<vmem>>)
    %dma_wait3A_284 = arith.constant 128 : i32
    %dma_wait3A_285 = tpu.memref_slice %arg19[%dma_wait3A_284] : memref<512xf32, #tpu.memory_space<vmem>> -> memref<128xf32, #tpu.memory_space<vmem>>
    %dma_wait3A_286 = arith.constant 128 : i32
    %dma_wait3A_287 = tpu.memref_slice %arg9[%dma_wait3A_286] : memref<512xi32, #tpu.memory_space<vmem>> -> memref<128xi32, #tpu.memory_space<vmem>>
    %dma_wait3A_288 = arith.constant 0 : i32
    %dma_wait3A_289 = tpu.memref_slice %arg5[%dma_wait3A_288] : memref<1000000xf32, #tpu.memory_space<hbm>> -> memref<1000000xf32, #tpu.memory_space<hbm>>
    tpu.wait_indirect_dma semaphore(%arg23 : memref<!tpu.dma_semaphore, #tpu.memory_space<semaphore_mem>>) src(%dma_wait3A_289 : memref<1000000xf32, #tpu.memory_space<hbm>>) dst(%dma_wait3A_285 : memref<128xf32, #tpu.memory_space<vmem>>)
    %dma_wait3A_290 = arith.constant 128 : i32
    %dma_wait3A_291 = tpu.memref_slice %arg20[%dma_wait3A_290] : memref<512xf32, #tpu.memory_space<vmem>> -> memref<128xf32, #tpu.memory_space<vmem>>
    %dma_wait3A_292 = arith.constant 128 : i32
    %dma_wait3A_293 = tpu.memref_slice %arg10[%dma_wait3A_292] : memref<512xi32, #tpu.memory_space<vmem>> -> memref<128xi32, #tpu.memory_space<vmem>>
    %dma_wait3A_294 = arith.constant 0 : i32
    %dma_wait3A_295 = tpu.memref_slice %arg7[%dma_wait3A_294] : memref<100000xf32, #tpu.memory_space<hbm>> -> memref<100000xf32, #tpu.memory_space<hbm>>
    tpu.wait_indirect_dma semaphore(%arg23 : memref<!tpu.dma_semaphore, #tpu.memory_space<semaphore_mem>>) src(%dma_wait3A_295 : memref<100000xf32, #tpu.memory_space<hbm>>) dst(%dma_wait3A_291 : memref<128xf32, #tpu.memory_space<vmem>>)
    %dma_wait3A_296 = arith.constant 128 : i32
    %dma_wait3A_297 = arith.constant 0 : i32
    %dma_wait3A_298 = tpu.memref_slice %arg18[%dma_wait3A_296, %dma_wait3A_297] : memref<512x128xf32, #tpu.memory_space<vmem>> -> memref<128x128xf32, #tpu.memory_space<vmem>>
    %dma_wait3A_299 = arith.constant 128 : i32
    %dma_wait3A_300 = tpu.memref_slice %arg13[%dma_wait3A_299] : memref<512xi32, #tpu.memory_space<vmem>> -> memref<128xi32, #tpu.memory_space<vmem>>
    %dma_wait3A_301 = arith.constant 0 : i32
    %dma_wait3A_302 = arith.constant 0 : i32
    %dma_wait3A_303 = tpu.memref_slice %arg6[%dma_wait3A_301, %dma_wait3A_302] : memref<25000x128xf32, #tpu.memory_space<hbm>> -> memref<25000x128xf32, #tpu.memory_space<hbm>>
    tpu.wait_indirect_dma semaphore(%arg23 : memref<!tpu.dma_semaphore, #tpu.memory_space<semaphore_mem>>) src(%dma_wait3A_303 : memref<25000x128xf32, #tpu.memory_space<hbm>>) dst(%dma_wait3A_298 : memref<128x128xf32, #tpu.memory_space<vmem>>)
    %dma_wait3A_304 = arith.constant 256 : i32
    %dma_wait3A_305 = tpu.memref_slice %arg19[%dma_wait3A_304] : memref<512xf32, #tpu.memory_space<vmem>> -> memref<128xf32, #tpu.memory_space<vmem>>
    %dma_wait3A_306 = arith.constant 256 : i32
    %dma_wait3A_307 = tpu.memref_slice %arg9[%dma_wait3A_306] : memref<512xi32, #tpu.memory_space<vmem>> -> memref<128xi32, #tpu.memory_space<vmem>>
    %dma_wait3A_308 = arith.constant 0 : i32
    %dma_wait3A_309 = tpu.memref_slice %arg5[%dma_wait3A_308] : memref<1000000xf32, #tpu.memory_space<hbm>> -> memref<1000000xf32, #tpu.memory_space<hbm>>
    tpu.wait_indirect_dma semaphore(%arg23 : memref<!tpu.dma_semaphore, #tpu.memory_space<semaphore_mem>>) src(%dma_wait3A_309 : memref<1000000xf32, #tpu.memory_space<hbm>>) dst(%dma_wait3A_305 : memref<128xf32, #tpu.memory_space<vmem>>)
    %dma_wait3A_310 = arith.constant 256 : i32
    %dma_wait3A_311 = tpu.memref_slice %arg20[%dma_wait3A_310] : memref<512xf32, #tpu.memory_space<vmem>> -> memref<128xf32, #tpu.memory_space<vmem>>
    %dma_wait3A_312 = arith.constant 256 : i32
    %dma_wait3A_313 = tpu.memref_slice %arg10[%dma_wait3A_312] : memref<512xi32, #tpu.memory_space<vmem>> -> memref<128xi32, #tpu.memory_space<vmem>>
    %dma_wait3A_314 = arith.constant 0 : i32
    %dma_wait3A_315 = tpu.memref_slice %arg7[%dma_wait3A_314] : memref<100000xf32, #tpu.memory_space<hbm>> -> memref<100000xf32, #tpu.memory_space<hbm>>
    tpu.wait_indirect_dma semaphore(%arg23 : memref<!tpu.dma_semaphore, #tpu.memory_space<semaphore_mem>>) src(%dma_wait3A_315 : memref<100000xf32, #tpu.memory_space<hbm>>) dst(%dma_wait3A_311 : memref<128xf32, #tpu.memory_space<vmem>>)
    %dma_wait3A_316 = arith.constant 256 : i32
    %dma_wait3A_317 = arith.constant 0 : i32
    %dma_wait3A_318 = tpu.memref_slice %arg18[%dma_wait3A_316, %dma_wait3A_317] : memref<512x128xf32, #tpu.memory_space<vmem>> -> memref<128x128xf32, #tpu.memory_space<vmem>>
    %dma_wait3A_319 = arith.constant 256 : i32
    %dma_wait3A_320 = tpu.memref_slice %arg13[%dma_wait3A_319] : memref<512xi32, #tpu.memory_space<vmem>> -> memref<128xi32, #tpu.memory_space<vmem>>
    %dma_wait3A_321 = arith.constant 0 : i32
    %dma_wait3A_322 = arith.constant 0 : i32
    %dma_wait3A_323 = tpu.memref_slice %arg6[%dma_wait3A_321, %dma_wait3A_322] : memref<25000x128xf32, #tpu.memory_space<hbm>> -> memref<25000x128xf32, #tpu.memory_space<hbm>>
    tpu.wait_indirect_dma semaphore(%arg23 : memref<!tpu.dma_semaphore, #tpu.memory_space<semaphore_mem>>) src(%dma_wait3A_323 : memref<25000x128xf32, #tpu.memory_space<hbm>>) dst(%dma_wait3A_318 : memref<128x128xf32, #tpu.memory_space<vmem>>)
    %dma_wait3A_324 = arith.constant 384 : i32
    %dma_wait3A_325 = tpu.memref_slice %arg19[%dma_wait3A_324] : memref<512xf32, #tpu.memory_space<vmem>> -> memref<128xf32, #tpu.memory_space<vmem>>
    %dma_wait3A_326 = arith.constant 384 : i32
    %dma_wait3A_327 = tpu.memref_slice %arg9[%dma_wait3A_326] : memref<512xi32, #tpu.memory_space<vmem>> -> memref<128xi32, #tpu.memory_space<vmem>>
    %dma_wait3A_328 = arith.constant 0 : i32
    %dma_wait3A_329 = tpu.memref_slice %arg5[%dma_wait3A_328] : memref<1000000xf32, #tpu.memory_space<hbm>> -> memref<1000000xf32, #tpu.memory_space<hbm>>
    tpu.wait_indirect_dma semaphore(%arg23 : memref<!tpu.dma_semaphore, #tpu.memory_space<semaphore_mem>>) src(%dma_wait3A_329 : memref<1000000xf32, #tpu.memory_space<hbm>>) dst(%dma_wait3A_325 : memref<128xf32, #tpu.memory_space<vmem>>)
    %dma_wait3A_330 = arith.constant 384 : i32
    %dma_wait3A_331 = tpu.memref_slice %arg20[%dma_wait3A_330] : memref<512xf32, #tpu.memory_space<vmem>> -> memref<128xf32, #tpu.memory_space<vmem>>
    %dma_wait3A_332 = arith.constant 384 : i32
    %dma_wait3A_333 = tpu.memref_slice %arg10[%dma_wait3A_332] : memref<512xi32, #tpu.memory_space<vmem>> -> memref<128xi32, #tpu.memory_space<vmem>>
    %dma_wait3A_334 = arith.constant 0 : i32
    %dma_wait3A_335 = tpu.memref_slice %arg7[%dma_wait3A_334] : memref<100000xf32, #tpu.memory_space<hbm>> -> memref<100000xf32, #tpu.memory_space<hbm>>
    tpu.wait_indirect_dma semaphore(%arg23 : memref<!tpu.dma_semaphore, #tpu.memory_space<semaphore_mem>>) src(%dma_wait3A_335 : memref<100000xf32, #tpu.memory_space<hbm>>) dst(%dma_wait3A_331 : memref<128xf32, #tpu.memory_space<vmem>>)
    %dma_wait3A_336 = arith.constant 384 : i32
    %dma_wait3A_337 = arith.constant 0 : i32
    %dma_wait3A_338 = tpu.memref_slice %arg18[%dma_wait3A_336, %dma_wait3A_337] : memref<512x128xf32, #tpu.memory_space<vmem>> -> memref<128x128xf32, #tpu.memory_space<vmem>>
    %dma_wait3A_339 = arith.constant 384 : i32
    %dma_wait3A_340 = tpu.memref_slice %arg13[%dma_wait3A_339] : memref<512xi32, #tpu.memory_space<vmem>> -> memref<128xi32, #tpu.memory_space<vmem>>
    %dma_wait3A_341 = arith.constant 0 : i32
    %dma_wait3A_342 = arith.constant 0 : i32
    %dma_wait3A_343 = tpu.memref_slice %arg6[%dma_wait3A_341, %dma_wait3A_342] : memref<25000x128xf32, #tpu.memory_space<hbm>> -> memref<25000x128xf32, #tpu.memory_space<hbm>>
    tpu.wait_indirect_dma semaphore(%arg23 : memref<!tpu.dma_semaphore, #tpu.memory_space<semaphore_mem>>) src(%dma_wait3A_343 : memref<25000x128xf32, #tpu.memory_space<hbm>>) dst(%dma_wait3A_338 : memref<128x128xf32, #tpu.memory_space<vmem>>)
    %scan3A_344 = arith.constant 0 : i32
    %scan3A_345 = arith.constant 512 : i32
    %scan3A_346 = arith.addi %scan3A_344, %scan3A_345 : i32
    %scan3A_347 = arith.constant 1 : i32
    scf.for %scan3A_349 = %scan3A_344 to %scan3A_346 step %scan3A_347  : i32 {
      %rem3A = arith.constant 8 : i32
      %rem3A_350 = arith.remsi %scan3A_349, %rem3A : i32
      %dma_wait3A_351 = arith.constant 0 : i32
      %dma_wait3A_352 = arith.constant 0 : i32
      %dma_wait3A_353 = tpu.memref_slice %arg16[%rem3A_350, %dma_wait3A_351, %dma_wait3A_352] : memref<8x32x128xf32, #tpu.memory_space<vmem>> -> memref<1x32x128xf32, #tpu.memory_space<vmem>>
      %dma_wait3A_354 = tpu.memref_squeeze %dma_wait3A_353 : memref<1x32x128xf32, #tpu.memory_space<vmem>> -> memref<32x128xf32, #tpu.memory_space<vmem>>
      %dma_wait3A_355 = arith.constant 0 : i32
      %dma_wait3A_356 = arith.constant 0 : i32
      %dma_wait3A_357 = tpu.memref_slice %arg4[%dma_wait3A_355, %dma_wait3A_356] : memref<32x1000000xf32, #tpu.memory_space<hbm>> -> memref<32x128xf32, #tpu.memory_space<hbm>>
      %dma_wait3A_358 = tpu.memref_slice %arg22[%rem3A_350] : memref<8x!tpu.dma_semaphore, #tpu.memory_space<semaphore_mem>> -> memref<1x!tpu.dma_semaphore, #tpu.memory_space<semaphore_mem>>
      %dma_wait3A_359 = tpu.memref_squeeze %dma_wait3A_358 : memref<1x!tpu.dma_semaphore, #tpu.memory_space<semaphore_mem>> -> memref<!tpu.dma_semaphore, #tpu.memory_space<semaphore_mem>>
      %dma_wait3A_360 = arith.constant 0 : i32
      %dma_wait3A_361 = arith.constant 0 : i32
      %dma_wait3A_362 = tpu.memref_slice %arg16[%rem3A_350, %dma_wait3A_360, %dma_wait3A_361] : memref<8x32x128xf32, #tpu.memory_space<vmem>> -> memref<1x32x128xf32, #tpu.memory_space<vmem>>
      %dma_wait3A_363 = tpu.memref_squeeze %dma_wait3A_362 : memref<1x32x128xf32, #tpu.memory_space<vmem>> -> memref<32x128xf32, #tpu.memory_space<vmem>>
      %dma_wait3A_364 = arith.constant 0 : i32
      %dma_wait3A_365 = arith.constant 0 : i32
      %dma_wait3A_366 = tpu.memref_slice %arg4[%dma_wait3A_364, %dma_wait3A_365] : memref<32x1000000xf32, #tpu.memory_space<hbm>> -> memref<32x128xf32, #tpu.memory_space<hbm>>
      tpu.wait_dma2 semaphore(%dma_wait3A_359 : memref<!tpu.dma_semaphore, #tpu.memory_space<semaphore_mem>>) src(%dma_wait3A_366 : memref<32x128xf32, #tpu.memory_space<hbm>>) dst(%dma_wait3A_363 : memref<32x128xf32, #tpu.memory_space<vmem>>)
      %broadcast_in_dim3A = vector.broadcast %rem3A_350 : i32 to vector<16xi32>
      %get3A_367 = arith.index_cast %scan3A_349 : i32 to index
      %get3A_368 = memref.load %arg15[%get3A_367] : memref<512xi32, #tpu.memory_space<smem>>
      %broadcast_in_dim3A_369 = vector.broadcast %get3A_368 : i32 to vector<16xi32>
      %gather3A = tpu.vector_load_idx %arg16[%broadcast_in_dim3A, %iota3A, %broadcast_in_dim3A_369] : memref<8x32x128xf32, #tpu.memory_space<vmem>>[vector<16xi32>, vector<16xi32>, vector<16xi32>], vector<16xf32>,
      %add3A_370 = arith.constant 16 : i32
      %add3A_371 = vector.broadcast %add3A_370 : i32 to vector<16xi32>
      %add3A_372 = arith.addi %iota3A, %add3A_371 : vector<16xi32>
      %gather3A_373 = tpu.vector_load_idx %arg16[%broadcast_in_dim3A, %add3A_372, %broadcast_in_dim3A_369] : memref<8x32x128xf32, #tpu.memory_space<vmem>>[vector<16xi32>, vector<16xi32>, vector<16xi32>], vector<16xf32>,
      %mul3A_374 = arith.constant 32 : i32
      %mul3A_375 = arith.muli %scan3A_349, %mul3A_374 : i32
      %swap3A = arith.index_cast %mul3A_375 : i32 to index
      %swap3A_376 = tpu.vector_load %arg17[%swap3A] {strides = array<i32>} : memref<16384xf32, #tpu.memory_space<vmem>>, vector<16xf32>,
      tpu.vector_store %arg17[%swap3A], %gather3A {strides = array<i32>} : memref<16384xf32, #tpu.memory_space<vmem>>, vector<16xf32>,
      %mul3A_377 = arith.constant 32 : i32
      %mul3A_378 = arith.muli %scan3A_349, %mul3A_377 : i32
      %add3A_379 = arith.constant 16 : i32
      %add3A_380 = arith.addi %mul3A_378, %add3A_379 : i32
      %swap3A_381 = arith.index_cast %add3A_380 : i32 to index
      %swap3A_382 = tpu.vector_load %arg17[%swap3A_381] {strides = array<i32>} : memref<16384xf32, #tpu.memory_space<vmem>>, vector<16xf32>,
      tpu.vector_store %arg17[%swap3A_381], %gather3A_373 {strides = array<i32>} : memref<16384xf32, #tpu.memory_space<vmem>>, vector<16xf32>,
      %add3A_383 = arith.constant 8 : i32
      %add3A_384 = arith.addi %scan3A_349, %add3A_383 : i32
      %lt3A = arith.constant 512 : i32
      %lt3A_385 = arith.cmpi slt, %add3A_384, %lt3A : i32
      %convert_element_type3A = arith.extui %lt3A_385 : i1 to i32
      %cond3A = arith.constant 0 : i32
      %cond3A_386 = arith.cmpi ne, %convert_element_type3A, %cond3A : i32
      scf.if %cond3A_386 {
        %add3A_392 = arith.constant 8 : i32
        %add3A_393 = arith.addi %scan3A_349, %add3A_392 : i32
        %get3A_394 = arith.index_cast %add3A_393 : i32 to index
        %get3A_395 = memref.load %arg14[%get3A_394] : memref<512xi32, #tpu.memory_space<smem>>
        %mul3A_396 = arith.constant 128 : i32
        %mul3A_397 = arith.muli %get3A_395, %mul3A_396 : i32
        %multiple_of3A_398 = tpu.assume_multiple %mul3A_397, 128 : i32
        %dma_start3A_399 = arith.constant 0 : i32
        %dma_start3A_400 = arith.constant 0 : i32
        %dma_start3A_401 = tpu.memref_slice %arg16[%rem3A_350, %dma_start3A_399, %dma_start3A_400] : memref<8x32x128xf32, #tpu.memory_space<vmem>> -> memref<1x32x128xf32, #tpu.memory_space<vmem>>
        %dma_start3A_402 = tpu.memref_squeeze %dma_start3A_401 : memref<1x32x128xf32, #tpu.memory_space<vmem>> -> memref<32x128xf32, #tpu.memory_space<vmem>>
        %dma_start3A_403 = arith.constant 0 : i32
        %dma_start3A_404 = tpu.memref_slice %arg4[%dma_start3A_403, %multiple_of3A_398] : memref<32x1000000xf32, #tpu.memory_space<hbm>> -> memref<32x128xf32, #tpu.memory_space<hbm>>
        %dma_start3A_405 = tpu.memref_slice %arg22[%rem3A_350] : memref<8x!tpu.dma_semaphore, #tpu.memory_space<semaphore_mem>> -> memref<1x!tpu.dma_semaphore, #tpu.memory_space<semaphore_mem>>
        %dma_start3A_406 = tpu.memref_squeeze %dma_start3A_405 : memref<1x!tpu.dma_semaphore, #tpu.memory_space<semaphore_mem>> -> memref<!tpu.dma_semaphore, #tpu.memory_space<semaphore_mem>>
        %dma_start3A_407 = arith.constant 0 : i32
        %dma_start3A_408 = arith.constant 0 : i32
        %dma_start3A_409 = tpu.memref_slice %arg16[%rem3A_350, %dma_start3A_407, %dma_start3A_408] : memref<8x32x128xf32, #tpu.memory_space<vmem>> -> memref<1x32x128xf32, #tpu.memory_space<vmem>>
        %dma_start3A_410 = tpu.memref_squeeze %dma_start3A_409 : memref<1x32x128xf32, #tpu.memory_space<vmem>> -> memref<32x128xf32, #tpu.memory_space<vmem>>
        %dma_start3A_411 = arith.constant 0 : i32
        %dma_start3A_412 = tpu.memref_slice %arg4[%dma_start3A_411, %multiple_of3A_398] : memref<32x1000000xf32, #tpu.memory_space<hbm>> -> memref<32x128xf32, #tpu.memory_space<hbm>>
        tpu.enqueue_dma source(%dma_start3A_412 : memref<32x128xf32, #tpu.memory_space<hbm>>) target(%dma_start3A_410 : memref<32x128xf32, #tpu.memory_space<vmem>>) target_semaphore(%dma_start3A_406 : memref<!tpu.dma_semaphore, #tpu.memory_space<semaphore_mem>>)
      } else {
      }
      %and3A = arith.constant 15 : i32
      %and3A_387 = arith.andi %scan3A_349, %and3A : i32
      %eq3A = arith.constant 15 : i32
      %eq3A_388 = arith.cmpi eq, %and3A_387, %eq3A : i32
      %convert_element_type3A_389 = arith.extui %eq3A_388 : i1 to i32
      %cond3A_390 = arith.constant 0 : i32
      %cond3A_391 = arith.cmpi ne, %convert_element_type3A_389, %cond3A_390 : i32
      scf.if %cond3A_391 {
        %shift_right_logical3A = arith.constant 4 : i32
        %shift_right_logical3A_392 = arith.shrui %scan3A_349, %shift_right_logical3A : i32
        %iota3A_393 = tpu.iota {dimensions = array<i32: 0>} : vector<16xi32>
        %mul3A_394 = arith.constant 16 : i32
        %mul3A_395 = arith.muli %shift_right_logical3A_392, %mul3A_394 : i32
        %add3A_396 = vector.broadcast %mul3A_395 : i32 to vector<16xi32>
        %add3A_397 = arith.addi %iota3A_393, %add3A_396 : vector<16xi32>
        %mul3A_398 = arith.constant 16 : i32
        %mul3A_399 = arith.muli %shift_right_logical3A_392, %mul3A_398 : i32
        %get3A_400 = arith.index_cast %mul3A_399 : i32 to index
        %get3A_401 = tpu.vector_load %arg10[%get3A_400] {strides = array<i32>} : memref<512xi32, #tpu.memory_space<vmem>>, vector<16xi32>,
        %and3A_402 = arith.constant 3 : i32
        %and3A_403 = vector.broadcast %and3A_402 : i32 to vector<16xi32>
        %and3A_404 = arith.andi %get3A_401, %and3A_403 : vector<16xi32>
        %mul3A_405 = arith.constant 32 : i32
        %mul3A_406 = vector.broadcast %mul3A_405 : i32 to vector<16xi32>
        %mul3A_407 = arith.muli %and3A_404, %mul3A_406 : vector<16xi32>
        %get3A_408 = arith.index_cast %mul3A_399 : i32 to index
        %get3A_409 = tpu.vector_load %arg19[%get3A_408] {strides = array<i32>} : memref<512xf32, #tpu.memory_space<vmem>>, vector<16xf32>,
        %get3A_410 = arith.index_cast %mul3A_399 : i32 to index
        %get3A_411 = tpu.vector_load %arg20[%get3A_410] {strides = array<i32>} : memref<512xf32, #tpu.memory_space<vmem>>, vector<16xf32>,
        %add3A_412 = arith.addf %get3A_409, %get3A_411 : vector<16xf32>
        %mul3A_413 = arith.constant 32 : i32
        %mul3A_414 = vector.broadcast %mul3A_413 : i32 to vector<16xi32>
        %mul3A_415 = arith.muli %add3A_397, %mul3A_414 : vector<16xi32>
        %add3A_416 = arith.constant 0 : i32
        %add3A_417 = vector.broadcast %add3A_416 : i32 to vector<16xi32>
        %add3A_418 = arith.addi %mul3A_415, %add3A_417 : vector<16xi32>
        %gather3A_419 = tpu.vector_load_idx %arg17[%add3A_418] : memref<16384xf32, #tpu.memory_space<vmem>>[vector<16xi32>], vector<16xf32>,
        %add3A_420 = arith.constant 0 : i32
        %add3A_421 = vector.broadcast %add3A_420 : i32 to vector<16xi32>
        %add3A_422 = arith.addi %mul3A_407, %add3A_421 : vector<16xi32>
        %gather3A_423 = tpu.vector_load_idx %arg18[%add3A_397, %add3A_422] : memref<512x128xf32, #tpu.memory_space<vmem>>[vector<16xi32>, vector<16xi32>], vector<16xf32>,
        %mul3A_424 = arith.mulf %gather3A_419, %gather3A_423 : vector<16xf32>
        %add3A_425 = arith.addf %add3A_412, %mul3A_424 : vector<16xf32>
        %mul3A_426 = arith.constant 32 : i32
        %mul3A_427 = vector.broadcast %mul3A_426 : i32 to vector<16xi32>
        %mul3A_428 = arith.muli %add3A_397, %mul3A_427 : vector<16xi32>
        %add3A_429 = arith.constant 1 : i32
        %add3A_430 = vector.broadcast %add3A_429 : i32 to vector<16xi32>
        %add3A_431 = arith.addi %mul3A_428, %add3A_430 : vector<16xi32>
        %gather3A_432 = tpu.vector_load_idx %arg17[%add3A_431] : memref<16384xf32, #tpu.memory_space<vmem>>[vector<16xi32>], vector<16xf32>,
        %add3A_433 = arith.constant 1 : i32
        %add3A_434 = vector.broadcast %add3A_433 : i32 to vector<16xi32>
        %add3A_435 = arith.addi %mul3A_407, %add3A_434 : vector<16xi32>
        %gather3A_436 = tpu.vector_load_idx %arg18[%add3A_397, %add3A_435] : memref<512x128xf32, #tpu.memory_space<vmem>>[vector<16xi32>, vector<16xi32>], vector<16xf32>,
        %mul3A_437 = arith.mulf %gather3A_432, %gather3A_436 : vector<16xf32>
        %add3A_438 = arith.addf %add3A_425, %mul3A_437 : vector<16xf32>
        %mul3A_439 = arith.constant 32 : i32
        %mul3A_440 = vector.broadcast %mul3A_439 : i32 to vector<16xi32>
        %mul3A_441 = arith.muli %add3A_397, %mul3A_440 : vector<16xi32>
        %add3A_442 = arith.constant 2 : i32
        %add3A_443 = vector.broadcast %add3A_442 : i32 to vector<16xi32>
        %add3A_444 = arith.addi %mul3A_441, %add3A_443 : vector<16xi32>
        %gather3A_445 = tpu.vector_load_idx %arg17[%add3A_444] : memref<16384xf32, #tpu.memory_space<vmem>>[vector<16xi32>], vector<16xf32>,
        %add3A_446 = arith.constant 2 : i32
        %add3A_447 = vector.broadcast %add3A_446 : i32 to vector<16xi32>
        %add3A_448 = arith.addi %mul3A_407, %add3A_447 : vector<16xi32>
        %gather3A_449 = tpu.vector_load_idx %arg18[%add3A_397, %add3A_448] : memref<512x128xf32, #tpu.memory_space<vmem>>[vector<16xi32>, vector<16xi32>], vector<16xf32>,
        %mul3A_450 = arith.mulf %gather3A_445, %gather3A_449 : vector<16xf32>
        %add3A_451 = arith.addf %add3A_438, %mul3A_450 : vector<16xf32>
        %mul3A_452 = arith.constant 32 : i32
        %mul3A_453 = vector.broadcast %mul3A_452 : i32 to vector<16xi32>
        %mul3A_454 = arith.muli %add3A_397, %mul3A_453 : vector<16xi32>
        %add3A_455 = arith.constant 3 : i32
        %add3A_456 = vector.broadcast %add3A_455 : i32 to vector<16xi32>
        %add3A_457 = arith.addi %mul3A_454, %add3A_456 : vector<16xi32>
        %gather3A_458 = tpu.vector_load_idx %arg17[%add3A_457] : memref<16384xf32, #tpu.memory_space<vmem>>[vector<16xi32>], vector<16xf32>,
        %add3A_459 = arith.constant 3 : i32
        %add3A_460 = vector.broadcast %add3A_459 : i32 to vector<16xi32>
        %add3A_461 = arith.addi %mul3A_407, %add3A_460 : vector<16xi32>
        %gather3A_462 = tpu.vector_load_idx %arg18[%add3A_397, %add3A_461] : memref<512x128xf32, #tpu.memory_space<vmem>>[vector<16xi32>, vector<16xi32>], vector<16xf32>,
        %mul3A_463 = arith.mulf %gather3A_458, %gather3A_462 : vector<16xf32>
        %add3A_464 = arith.addf %add3A_451, %mul3A_463 : vector<16xf32>
        %mul3A_465 = arith.constant 32 : i32
        %mul3A_466 = vector.broadcast %mul3A_465 : i32 to vector<16xi32>
        %mul3A_467 = arith.muli %add3A_397, %mul3A_466 : vector<16xi32>
        %add3A_468 = arith.constant 4 : i32
        %add3A_469 = vector.broadcast %add3A_468 : i32 to vector<16xi32>
        %add3A_470 = arith.addi %mul3A_467, %add3A_469 : vector<16xi32>
        %gather3A_471 = tpu.vector_load_idx %arg17[%add3A_470] : memref<16384xf32, #tpu.memory_space<vmem>>[vector<16xi32>], vector<16xf32>,
        %add3A_472 = arith.constant 4 : i32
        %add3A_473 = vector.broadcast %add3A_472 : i32 to vector<16xi32>
        %add3A_474 = arith.addi %mul3A_407, %add3A_473 : vector<16xi32>
        %gather3A_475 = tpu.vector_load_idx %arg18[%add3A_397, %add3A_474] : memref<512x128xf32, #tpu.memory_space<vmem>>[vector<16xi32>, vector<16xi32>], vector<16xf32>,
        %mul3A_476 = arith.mulf %gather3A_471, %gather3A_475 : vector<16xf32>
        %add3A_477 = arith.addf %add3A_464, %mul3A_476 : vector<16xf32>
        %mul3A_478 = arith.constant 32 : i32
        %mul3A_479 = vector.broadcast %mul3A_478 : i32 to vector<16xi32>
        %mul3A_480 = arith.muli %add3A_397, %mul3A_479 : vector<16xi32>
        %add3A_481 = arith.constant 5 : i32
        %add3A_482 = vector.broadcast %add3A_481 : i32 to vector<16xi32>
        %add3A_483 = arith.addi %mul3A_480, %add3A_482 : vector<16xi32>
        %gather3A_484 = tpu.vector_load_idx %arg17[%add3A_483] : memref<16384xf32, #tpu.memory_space<vmem>>[vector<16xi32>], vector<16xf32>,
        %add3A_485 = arith.constant 5 : i32
        %add3A_486 = vector.broadcast %add3A_485 : i32 to vector<16xi32>
        %add3A_487 = arith.addi %mul3A_407, %add3A_486 : vector<16xi32>
        %gather3A_488 = tpu.vector_load_idx %arg18[%add3A_397, %add3A_487] : memref<512x128xf32, #tpu.memory_space<vmem>>[vector<16xi32>, vector<16xi32>], vector<16xf32>,
        %mul3A_489 = arith.mulf %gather3A_484, %gather3A_488 : vector<16xf32>
        %add3A_490 = arith.addf %add3A_477, %mul3A_489 : vector<16xf32>
        %mul3A_491 = arith.constant 32 : i32
        %mul3A_492 = vector.broadcast %mul3A_491 : i32 to vector<16xi32>
        %mul3A_493 = arith.muli %add3A_397, %mul3A_492 : vector<16xi32>
        %add3A_494 = arith.constant 6 : i32
        %add3A_495 = vector.broadcast %add3A_494 : i32 to vector<16xi32>
        %add3A_496 = arith.addi %mul3A_493, %add3A_495 : vector<16xi32>
        %gather3A_497 = tpu.vector_load_idx %arg17[%add3A_496] : memref<16384xf32, #tpu.memory_space<vmem>>[vector<16xi32>], vector<16xf32>,
        %add3A_498 = arith.constant 6 : i32
        %add3A_499 = vector.broadcast %add3A_498 : i32 to vector<16xi32>
        %add3A_500 = arith.addi %mul3A_407, %add3A_499 : vector<16xi32>
        %gather3A_501 = tpu.vector_load_idx %arg18[%add3A_397, %add3A_500] : memref<512x128xf32, #tpu.memory_space<vmem>>[vector<16xi32>, vector<16xi32>], vector<16xf32>,
        %mul3A_502 = arith.mulf %gather3A_497, %gather3A_501 : vector<16xf32>
        %add3A_503 = arith.addf %add3A_490, %mul3A_502 : vector<16xf32>
        %mul3A_504 = arith.constant 32 : i32
        %mul3A_505 = vector.broadcast %mul3A_504 : i32 to vector<16xi32>
        %mul3A_506 = arith.muli %add3A_397, %mul3A_505 : vector<16xi32>
        %add3A_507 = arith.constant 7 : i32
        %add3A_508 = vector.broadcast %add3A_507 : i32 to vector<16xi32>
        %add3A_509 = arith.addi %mul3A_506, %add3A_508 : vector<16xi32>
        %gather3A_510 = tpu.vector_load_idx %arg17[%add3A_509] : memref<16384xf32, #tpu.memory_space<vmem>>[vector<16xi32>], vector<16xf32>,
        %add3A_511 = arith.constant 7 : i32
        %add3A_512 = vector.broadcast %add3A_511 : i32 to vector<16xi32>
        %add3A_513 = arith.addi %mul3A_407, %add3A_512 : vector<16xi32>
        %gather3A_514 = tpu.vector_load_idx %arg18[%add3A_397, %add3A_513] : memref<512x128xf32, #tpu.memory_space<vmem>>[vector<16xi32>, vector<16xi32>], vector<16xf32>,
        %mul3A_515 = arith.mulf %gather3A_510, %gather3A_514 : vector<16xf32>
        %add3A_516 = arith.addf %add3A_503, %mul3A_515 : vector<16xf32>
        %mul3A_517 = arith.constant 32 : i32
        %mul3A_518 = vector.broadcast %mul3A_517 : i32 to vector<16xi32>
        %mul3A_519 = arith.muli %add3A_397, %mul3A_518 : vector<16xi32>
        %add3A_520 = arith.constant 8 : i32
        %add3A_521 = vector.broadcast %add3A_520 : i32 to vector<16xi32>
        %add3A_522 = arith.addi %mul3A_519, %add3A_521 : vector<16xi32>
        %gather3A_523 = tpu.vector_load_idx %arg17[%add3A_522] : memref<16384xf32, #tpu.memory_space<vmem>>[vector<16xi32>], vector<16xf32>,
        %add3A_524 = arith.constant 8 : i32
        %add3A_525 = vector.broadcast %add3A_524 : i32 to vector<16xi32>
        %add3A_526 = arith.addi %mul3A_407, %add3A_525 : vector<16xi32>
        %gather3A_527 = tpu.vector_load_idx %arg18[%add3A_397, %add3A_526] : memref<512x128xf32, #tpu.memory_space<vmem>>[vector<16xi32>, vector<16xi32>], vector<16xf32>,
        %mul3A_528 = arith.mulf %gather3A_523, %gather3A_527 : vector<16xf32>
        %add3A_529 = arith.addf %add3A_516, %mul3A_528 : vector<16xf32>
        %mul3A_530 = arith.constant 32 : i32
        %mul3A_531 = vector.broadcast %mul3A_530 : i32 to vector<16xi32>
        %mul3A_532 = arith.muli %add3A_397, %mul3A_531 : vector<16xi32>
        %add3A_533 = arith.constant 9 : i32
        %add3A_534 = vector.broadcast %add3A_533 : i32 to vector<16xi32>
        %add3A_535 = arith.addi %mul3A_532, %add3A_534 : vector<16xi32>
        %gather3A_536 = tpu.vector_load_idx %arg17[%add3A_535] : memref<16384xf32, #tpu.memory_space<vmem>>[vector<16xi32>], vector<16xf32>,
        %add3A_537 = arith.constant 9 : i32
        %add3A_538 = vector.broadcast %add3A_537 : i32 to vector<16xi32>
        %add3A_539 = arith.addi %mul3A_407, %add3A_538 : vector<16xi32>
        %gather3A_540 = tpu.vector_load_idx %arg18[%add3A_397, %add3A_539] : memref<512x128xf32, #tpu.memory_space<vmem>>[vector<16xi32>, vector<16xi32>], vector<16xf32>,
        %mul3A_541 = arith.mulf %gather3A_536, %gather3A_540 : vector<16xf32>
        %add3A_542 = arith.addf %add3A_529, %mul3A_541 : vector<16xf32>
        %mul3A_543 = arith.constant 32 : i32
        %mul3A_544 = vector.broadcast %mul3A_543 : i32 to vector<16xi32>
        %mul3A_545 = arith.muli %add3A_397, %mul3A_544 : vector<16xi32>
        %add3A_546 = arith.constant 10 : i32
        %add3A_547 = vector.broadcast %add3A_546 : i32 to vector<16xi32>
        %add3A_548 = arith.addi %mul3A_545, %add3A_547 : vector<16xi32>
        %gather3A_549 = tpu.vector_load_idx %arg17[%add3A_548] : memref<16384xf32, #tpu.memory_space<vmem>>[vector<16xi32>], vector<16xf32>,
        %add3A_550 = arith.constant 10 : i32
        %add3A_551 = vector.broadcast %add3A_550 : i32 to vector<16xi32>
        %add3A_552 = arith.addi %mul3A_407, %add3A_551 : vector<16xi32>
        %gather3A_553 = tpu.vector_load_idx %arg18[%add3A_397, %add3A_552] : memref<512x128xf32, #tpu.memory_space<vmem>>[vector<16xi32>, vector<16xi32>], vector<16xf32>,
        %mul3A_554 = arith.mulf %gather3A_549, %gather3A_553 : vector<16xf32>
        %add3A_555 = arith.addf %add3A_542, %mul3A_554 : vector<16xf32>
        %mul3A_556 = arith.constant 32 : i32
        %mul3A_557 = vector.broadcast %mul3A_556 : i32 to vector<16xi32>
        %mul3A_558 = arith.muli %add3A_397, %mul3A_557 : vector<16xi32>
        %add3A_559 = arith.constant 11 : i32
        %add3A_560 = vector.broadcast %add3A_559 : i32 to vector<16xi32>
        %add3A_561 = arith.addi %mul3A_558, %add3A_560 : vector<16xi32>
        %gather3A_562 = tpu.vector_load_idx %arg17[%add3A_561] : memref<16384xf32, #tpu.memory_space<vmem>>[vector<16xi32>], vector<16xf32>,
        %add3A_563 = arith.constant 11 : i32
        %add3A_564 = vector.broadcast %add3A_563 : i32 to vector<16xi32>
        %add3A_565 = arith.addi %mul3A_407, %add3A_564 : vector<16xi32>
        %gather3A_566 = tpu.vector_load_idx %arg18[%add3A_397, %add3A_565] : memref<512x128xf32, #tpu.memory_space<vmem>>[vector<16xi32>, vector<16xi32>], vector<16xf32>,
        %mul3A_567 = arith.mulf %gather3A_562, %gather3A_566 : vector<16xf32>
        %add3A_568 = arith.addf %add3A_555, %mul3A_567 : vector<16xf32>
        %mul3A_569 = arith.constant 32 : i32
        %mul3A_570 = vector.broadcast %mul3A_569 : i32 to vector<16xi32>
        %mul3A_571 = arith.muli %add3A_397, %mul3A_570 : vector<16xi32>
        %add3A_572 = arith.constant 12 : i32
        %add3A_573 = vector.broadcast %add3A_572 : i32 to vector<16xi32>
        %add3A_574 = arith.addi %mul3A_571, %add3A_573 : vector<16xi32>
        %gather3A_575 = tpu.vector_load_idx %arg17[%add3A_574] : memref<16384xf32, #tpu.memory_space<vmem>>[vector<16xi32>], vector<16xf32>,
        %add3A_576 = arith.constant 12 : i32
        %add3A_577 = vector.broadcast %add3A_576 : i32 to vector<16xi32>
        %add3A_578 = arith.addi %mul3A_407, %add3A_577 : vector<16xi32>
        %gather3A_579 = tpu.vector_load_idx %arg18[%add3A_397, %add3A_578] : memref<512x128xf32, #tpu.memory_space<vmem>>[vector<16xi32>, vector<16xi32>], vector<16xf32>,
        %mul3A_580 = arith.mulf %gather3A_575, %gather3A_579 : vector<16xf32>
        %add3A_581 = arith.addf %add3A_568, %mul3A_580 : vector<16xf32>
        %mul3A_582 = arith.constant 32 : i32
        %mul3A_583 = vector.broadcast %mul3A_582 : i32 to vector<16xi32>
        %mul3A_584 = arith.muli %add3A_397, %mul3A_583 : vector<16xi32>
        %add3A_585 = arith.constant 13 : i32
        %add3A_586 = vector.broadcast %add3A_585 : i32 to vector<16xi32>
        %add3A_587 = arith.addi %mul3A_584, %add3A_586 : vector<16xi32>
        %gather3A_588 = tpu.vector_load_idx %arg17[%add3A_587] : memref<16384xf32, #tpu.memory_space<vmem>>[vector<16xi32>], vector<16xf32>,
        %add3A_589 = arith.constant 13 : i32
        %add3A_590 = vector.broadcast %add3A_589 : i32 to vector<16xi32>
        %add3A_591 = arith.addi %mul3A_407, %add3A_590 : vector<16xi32>
        %gather3A_592 = tpu.vector_load_idx %arg18[%add3A_397, %add3A_591] : memref<512x128xf32, #tpu.memory_space<vmem>>[vector<16xi32>, vector<16xi32>], vector<16xf32>,
        %mul3A_593 = arith.mulf %gather3A_588, %gather3A_592 : vector<16xf32>
        %add3A_594 = arith.addf %add3A_581, %mul3A_593 : vector<16xf32>
        %mul3A_595 = arith.constant 32 : i32
        %mul3A_596 = vector.broadcast %mul3A_595 : i32 to vector<16xi32>
        %mul3A_597 = arith.muli %add3A_397, %mul3A_596 : vector<16xi32>
        %add3A_598 = arith.constant 14 : i32
        %add3A_599 = vector.broadcast %add3A_598 : i32 to vector<16xi32>
        %add3A_600 = arith.addi %mul3A_597, %add3A_599 : vector<16xi32>
        %gather3A_601 = tpu.vector_load_idx %arg17[%add3A_600] : memref<16384xf32, #tpu.memory_space<vmem>>[vector<16xi32>], vector<16xf32>,
        %add3A_602 = arith.constant 14 : i32
        %add3A_603 = vector.broadcast %add3A_602 : i32 to vector<16xi32>
        %add3A_604 = arith.addi %mul3A_407, %add3A_603 : vector<16xi32>
        %gather3A_605 = tpu.vector_load_idx %arg18[%add3A_397, %add3A_604] : memref<512x128xf32, #tpu.memory_space<vmem>>[vector<16xi32>, vector<16xi32>], vector<16xf32>,
        %mul3A_606 = arith.mulf %gather3A_601, %gather3A_605 : vector<16xf32>
        %add3A_607 = arith.addf %add3A_594, %mul3A_606 : vector<16xf32>
        %mul3A_608 = arith.constant 32 : i32
        %mul3A_609 = vector.broadcast %mul3A_608 : i32 to vector<16xi32>
        %mul3A_610 = arith.muli %add3A_397, %mul3A_609 : vector<16xi32>
        %add3A_611 = arith.constant 15 : i32
        %add3A_612 = vector.broadcast %add3A_611 : i32 to vector<16xi32>
        %add3A_613 = arith.addi %mul3A_610, %add3A_612 : vector<16xi32>
        %gather3A_614 = tpu.vector_load_idx %arg17[%add3A_613] : memref<16384xf32, #tpu.memory_space<vmem>>[vector<16xi32>], vector<16xf32>,
        %add3A_615 = arith.constant 15 : i32
        %add3A_616 = vector.broadcast %add3A_615 : i32 to vector<16xi32>
        %add3A_617 = arith.addi %mul3A_407, %add3A_616 : vector<16xi32>
        %gather3A_618 = tpu.vector_load_idx %arg18[%add3A_397, %add3A_617] : memref<512x128xf32, #tpu.memory_space<vmem>>[vector<16xi32>, vector<16xi32>], vector<16xf32>,
        %mul3A_619 = arith.mulf %gather3A_614, %gather3A_618 : vector<16xf32>
        %add3A_620 = arith.addf %add3A_607, %mul3A_619 : vector<16xf32>
        %mul3A_621 = arith.constant 32 : i32
        %mul3A_622 = vector.broadcast %mul3A_621 : i32 to vector<16xi32>
        %mul3A_623 = arith.muli %add3A_397, %mul3A_622 : vector<16xi32>
        %add3A_624 = arith.constant 16 : i32
        %add3A_625 = vector.broadcast %add3A_624 : i32 to vector<16xi32>
        %add3A_626 = arith.addi %mul3A_623, %add3A_625 : vector<16xi32>
        %gather3A_627 = tpu.vector_load_idx %arg17[%add3A_626] : memref<16384xf32, #tpu.memory_space<vmem>>[vector<16xi32>], vector<16xf32>,
        %add3A_628 = arith.constant 16 : i32
        %add3A_629 = vector.broadcast %add3A_628 : i32 to vector<16xi32>
        %add3A_630 = arith.addi %mul3A_407, %add3A_629 : vector<16xi32>
        %gather3A_631 = tpu.vector_load_idx %arg18[%add3A_397, %add3A_630] : memref<512x128xf32, #tpu.memory_space<vmem>>[vector<16xi32>, vector<16xi32>], vector<16xf32>,
        %mul3A_632 = arith.mulf %gather3A_627, %gather3A_631 : vector<16xf32>
        %add3A_633 = arith.addf %add3A_620, %mul3A_632 : vector<16xf32>
        %mul3A_634 = arith.constant 32 : i32
        %mul3A_635 = vector.broadcast %mul3A_634 : i32 to vector<16xi32>
        %mul3A_636 = arith.muli %add3A_397, %mul3A_635 : vector<16xi32>
        %add3A_637 = arith.constant 17 : i32
        %add3A_638 = vector.broadcast %add3A_637 : i32 to vector<16xi32>
        %add3A_639 = arith.addi %mul3A_636, %add3A_638 : vector<16xi32>
        %gather3A_640 = tpu.vector_load_idx %arg17[%add3A_639] : memref<16384xf32, #tpu.memory_space<vmem>>[vector<16xi32>], vector<16xf32>,
        %add3A_641 = arith.constant 17 : i32
        %add3A_642 = vector.broadcast %add3A_641 : i32 to vector<16xi32>
        %add3A_643 = arith.addi %mul3A_407, %add3A_642 : vector<16xi32>
        %gather3A_644 = tpu.vector_load_idx %arg18[%add3A_397, %add3A_643] : memref<512x128xf32, #tpu.memory_space<vmem>>[vector<16xi32>, vector<16xi32>], vector<16xf32>,
        %mul3A_645 = arith.mulf %gather3A_640, %gather3A_644 : vector<16xf32>
        %add3A_646 = arith.addf %add3A_633, %mul3A_645 : vector<16xf32>
        %mul3A_647 = arith.constant 32 : i32
        %mul3A_648 = vector.broadcast %mul3A_647 : i32 to vector<16xi32>
        %mul3A_649 = arith.muli %add3A_397, %mul3A_648 : vector<16xi32>
        %add3A_650 = arith.constant 18 : i32
        %add3A_651 = vector.broadcast %add3A_650 : i32 to vector<16xi32>
        %add3A_652 = arith.addi %mul3A_649, %add3A_651 : vector<16xi32>
        %gather3A_653 = tpu.vector_load_idx %arg17[%add3A_652] : memref<16384xf32, #tpu.memory_space<vmem>>[vector<16xi32>], vector<16xf32>,
        %add3A_654 = arith.constant 18 : i32
        %add3A_655 = vector.broadcast %add3A_654 : i32 to vector<16xi32>
        %add3A_656 = arith.addi %mul3A_407, %add3A_655 : vector<16xi32>
        %gather3A_657 = tpu.vector_load_idx %arg18[%add3A_397, %add3A_656] : memref<512x128xf32, #tpu.memory_space<vmem>>[vector<16xi32>, vector<16xi32>], vector<16xf32>,
        %mul3A_658 = arith.mulf %gather3A_653, %gather3A_657 : vector<16xf32>
        %add3A_659 = arith.addf %add3A_646, %mul3A_658 : vector<16xf32>
        %mul3A_660 = arith.constant 32 : i32
        %mul3A_661 = vector.broadcast %mul3A_660 : i32 to vector<16xi32>
        %mul3A_662 = arith.muli %add3A_397, %mul3A_661 : vector<16xi32>
        %add3A_663 = arith.constant 19 : i32
        %add3A_664 = vector.broadcast %add3A_663 : i32 to vector<16xi32>
        %add3A_665 = arith.addi %mul3A_662, %add3A_664 : vector<16xi32>
        %gather3A_666 = tpu.vector_load_idx %arg17[%add3A_665] : memref<16384xf32, #tpu.memory_space<vmem>>[vector<16xi32>], vector<16xf32>,
        %add3A_667 = arith.constant 19 : i32
        %add3A_668 = vector.broadcast %add3A_667 : i32 to vector<16xi32>
        %add3A_669 = arith.addi %mul3A_407, %add3A_668 : vector<16xi32>
        %gather3A_670 = tpu.vector_load_idx %arg18[%add3A_397, %add3A_669] : memref<512x128xf32, #tpu.memory_space<vmem>>[vector<16xi32>, vector<16xi32>], vector<16xf32>,
        %mul3A_671 = arith.mulf %gather3A_666, %gather3A_670 : vector<16xf32>
        %add3A_672 = arith.addf %add3A_659, %mul3A_671 : vector<16xf32>
        %mul3A_673 = arith.constant 32 : i32
        %mul3A_674 = vector.broadcast %mul3A_673 : i32 to vector<16xi32>
        %mul3A_675 = arith.muli %add3A_397, %mul3A_674 : vector<16xi32>
        %add3A_676 = arith.constant 20 : i32
        %add3A_677 = vector.broadcast %add3A_676 : i32 to vector<16xi32>
        %add3A_678 = arith.addi %mul3A_675, %add3A_677 : vector<16xi32>
        %gather3A_679 = tpu.vector_load_idx %arg17[%add3A_678] : memref<16384xf32, #tpu.memory_space<vmem>>[vector<16xi32>], vector<16xf32>,
        %add3A_680 = arith.constant 20 : i32
        %add3A_681 = vector.broadcast %add3A_680 : i32 to vector<16xi32>
        %add3A_682 = arith.addi %mul3A_407, %add3A_681 : vector<16xi32>
        %gather3A_683 = tpu.vector_load_idx %arg18[%add3A_397, %add3A_682] : memref<512x128xf32, #tpu.memory_space<vmem>>[vector<16xi32>, vector<16xi32>], vector<16xf32>,
        %mul3A_684 = arith.mulf %gather3A_679, %gather3A_683 : vector<16xf32>
        %add3A_685 = arith.addf %add3A_672, %mul3A_684 : vector<16xf32>
        %mul3A_686 = arith.constant 32 : i32
        %mul3A_687 = vector.broadcast %mul3A_686 : i32 to vector<16xi32>
        %mul3A_688 = arith.muli %add3A_397, %mul3A_687 : vector<16xi32>
        %add3A_689 = arith.constant 21 : i32
        %add3A_690 = vector.broadcast %add3A_689 : i32 to vector<16xi32>
        %add3A_691 = arith.addi %mul3A_688, %add3A_690 : vector<16xi32>
        %gather3A_692 = tpu.vector_load_idx %arg17[%add3A_691] : memref<16384xf32, #tpu.memory_space<vmem>>[vector<16xi32>], vector<16xf32>,
        %add3A_693 = arith.constant 21 : i32
        %add3A_694 = vector.broadcast %add3A_693 : i32 to vector<16xi32>
        %add3A_695 = arith.addi %mul3A_407, %add3A_694 : vector<16xi32>
        %gather3A_696 = tpu.vector_load_idx %arg18[%add3A_397, %add3A_695] : memref<512x128xf32, #tpu.memory_space<vmem>>[vector<16xi32>, vector<16xi32>], vector<16xf32>,
        %mul3A_697 = arith.mulf %gather3A_692, %gather3A_696 : vector<16xf32>
        %add3A_698 = arith.addf %add3A_685, %mul3A_697 : vector<16xf32>
        %mul3A_699 = arith.constant 32 : i32
        %mul3A_700 = vector.broadcast %mul3A_699 : i32 to vector<16xi32>
        %mul3A_701 = arith.muli %add3A_397, %mul3A_700 : vector<16xi32>
        %add3A_702 = arith.constant 22 : i32
        %add3A_703 = vector.broadcast %add3A_702 : i32 to vector<16xi32>
        %add3A_704 = arith.addi %mul3A_701, %add3A_703 : vector<16xi32>
        %gather3A_705 = tpu.vector_load_idx %arg17[%add3A_704] : memref<16384xf32, #tpu.memory_space<vmem>>[vector<16xi32>], vector<16xf32>,
        %add3A_706 = arith.constant 22 : i32
        %add3A_707 = vector.broadcast %add3A_706 : i32 to vector<16xi32>
        %add3A_708 = arith.addi %mul3A_407, %add3A_707 : vector<16xi32>
        %gather3A_709 = tpu.vector_load_idx %arg18[%add3A_397, %add3A_708] : memref<512x128xf32, #tpu.memory_space<vmem>>[vector<16xi32>, vector<16xi32>], vector<16xf32>,
        %mul3A_710 = arith.mulf %gather3A_705, %gather3A_709 : vector<16xf32>
        %add3A_711 = arith.addf %add3A_698, %mul3A_710 : vector<16xf32>
        %mul3A_712 = arith.constant 32 : i32
        %mul3A_713 = vector.broadcast %mul3A_712 : i32 to vector<16xi32>
        %mul3A_714 = arith.muli %add3A_397, %mul3A_713 : vector<16xi32>
        %add3A_715 = arith.constant 23 : i32
        %add3A_716 = vector.broadcast %add3A_715 : i32 to vector<16xi32>
        %add3A_717 = arith.addi %mul3A_714, %add3A_716 : vector<16xi32>
        %gather3A_718 = tpu.vector_load_idx %arg17[%add3A_717] : memref<16384xf32, #tpu.memory_space<vmem>>[vector<16xi32>], vector<16xf32>,
        %add3A_719 = arith.constant 23 : i32
        %add3A_720 = vector.broadcast %add3A_719 : i32 to vector<16xi32>
        %add3A_721 = arith.addi %mul3A_407, %add3A_720 : vector<16xi32>
        %gather3A_722 = tpu.vector_load_idx %arg18[%add3A_397, %add3A_721] : memref<512x128xf32, #tpu.memory_space<vmem>>[vector<16xi32>, vector<16xi32>], vector<16xf32>,
        %mul3A_723 = arith.mulf %gather3A_718, %gather3A_722 : vector<16xf32>
        %add3A_724 = arith.addf %add3A_711, %mul3A_723 : vector<16xf32>
        %mul3A_725 = arith.constant 32 : i32
        %mul3A_726 = vector.broadcast %mul3A_725 : i32 to vector<16xi32>
        %mul3A_727 = arith.muli %add3A_397, %mul3A_726 : vector<16xi32>
        %add3A_728 = arith.constant 24 : i32
        %add3A_729 = vector.broadcast %add3A_728 : i32 to vector<16xi32>
        %add3A_730 = arith.addi %mul3A_727, %add3A_729 : vector<16xi32>
        %gather3A_731 = tpu.vector_load_idx %arg17[%add3A_730] : memref<16384xf32, #tpu.memory_space<vmem>>[vector<16xi32>], vector<16xf32>,
        %add3A_732 = arith.constant 24 : i32
        %add3A_733 = vector.broadcast %add3A_732 : i32 to vector<16xi32>
        %add3A_734 = arith.addi %mul3A_407, %add3A_733 : vector<16xi32>
        %gather3A_735 = tpu.vector_load_idx %arg18[%add3A_397, %add3A_734] : memref<512x128xf32, #tpu.memory_space<vmem>>[vector<16xi32>, vector<16xi32>], vector<16xf32>,
        %mul3A_736 = arith.mulf %gather3A_731, %gather3A_735 : vector<16xf32>
        %add3A_737 = arith.addf %add3A_724, %mul3A_736 : vector<16xf32>
        %mul3A_738 = arith.constant 32 : i32
        %mul3A_739 = vector.broadcast %mul3A_738 : i32 to vector<16xi32>
        %mul3A_740 = arith.muli %add3A_397, %mul3A_739 : vector<16xi32>
        %add3A_741 = arith.constant 25 : i32
        %add3A_742 = vector.broadcast %add3A_741 : i32 to vector<16xi32>
        %add3A_743 = arith.addi %mul3A_740, %add3A_742 : vector<16xi32>
        %gather3A_744 = tpu.vector_load_idx %arg17[%add3A_743] : memref<16384xf32, #tpu.memory_space<vmem>>[vector<16xi32>], vector<16xf32>,
        %add3A_745 = arith.constant 25 : i32
        %add3A_746 = vector.broadcast %add3A_745 : i32 to vector<16xi32>
        %add3A_747 = arith.addi %mul3A_407, %add3A_746 : vector<16xi32>
        %gather3A_748 = tpu.vector_load_idx %arg18[%add3A_397, %add3A_747] : memref<512x128xf32, #tpu.memory_space<vmem>>[vector<16xi32>, vector<16xi32>], vector<16xf32>,
        %mul3A_749 = arith.mulf %gather3A_744, %gather3A_748 : vector<16xf32>
        %add3A_750 = arith.addf %add3A_737, %mul3A_749 : vector<16xf32>
        %mul3A_751 = arith.constant 32 : i32
        %mul3A_752 = vector.broadcast %mul3A_751 : i32 to vector<16xi32>
        %mul3A_753 = arith.muli %add3A_397, %mul3A_752 : vector<16xi32>
        %add3A_754 = arith.constant 26 : i32
        %add3A_755 = vector.broadcast %add3A_754 : i32 to vector<16xi32>
        %add3A_756 = arith.addi %mul3A_753, %add3A_755 : vector<16xi32>
        %gather3A_757 = tpu.vector_load_idx %arg17[%add3A_756] : memref<16384xf32, #tpu.memory_space<vmem>>[vector<16xi32>], vector<16xf32>,
        %add3A_758 = arith.constant 26 : i32
        %add3A_759 = vector.broadcast %add3A_758 : i32 to vector<16xi32>
        %add3A_760 = arith.addi %mul3A_407, %add3A_759 : vector<16xi32>
        %gather3A_761 = tpu.vector_load_idx %arg18[%add3A_397, %add3A_760] : memref<512x128xf32, #tpu.memory_space<vmem>>[vector<16xi32>, vector<16xi32>], vector<16xf32>,
        %mul3A_762 = arith.mulf %gather3A_757, %gather3A_761 : vector<16xf32>
        %add3A_763 = arith.addf %add3A_750, %mul3A_762 : vector<16xf32>
        %mul3A_764 = arith.constant 32 : i32
        %mul3A_765 = vector.broadcast %mul3A_764 : i32 to vector<16xi32>
        %mul3A_766 = arith.muli %add3A_397, %mul3A_765 : vector<16xi32>
        %add3A_767 = arith.constant 27 : i32
        %add3A_768 = vector.broadcast %add3A_767 : i32 to vector<16xi32>
        %add3A_769 = arith.addi %mul3A_766, %add3A_768 : vector<16xi32>
        %gather3A_770 = tpu.vector_load_idx %arg17[%add3A_769] : memref<16384xf32, #tpu.memory_space<vmem>>[vector<16xi32>], vector<16xf32>,
        %add3A_771 = arith.constant 27 : i32
        %add3A_772 = vector.broadcast %add3A_771 : i32 to vector<16xi32>
        %add3A_773 = arith.addi %mul3A_407, %add3A_772 : vector<16xi32>
        %gather3A_774 = tpu.vector_load_idx %arg18[%add3A_397, %add3A_773] : memref<512x128xf32, #tpu.memory_space<vmem>>[vector<16xi32>, vector<16xi32>], vector<16xf32>,
        %mul3A_775 = arith.mulf %gather3A_770, %gather3A_774 : vector<16xf32>
        %add3A_776 = arith.addf %add3A_763, %mul3A_775 : vector<16xf32>
        %mul3A_777 = arith.constant 32 : i32
        %mul3A_778 = vector.broadcast %mul3A_777 : i32 to vector<16xi32>
        %mul3A_779 = arith.muli %add3A_397, %mul3A_778 : vector<16xi32>
        %add3A_780 = arith.constant 28 : i32
        %add3A_781 = vector.broadcast %add3A_780 : i32 to vector<16xi32>
        %add3A_782 = arith.addi %mul3A_779, %add3A_781 : vector<16xi32>
        %gather3A_783 = tpu.vector_load_idx %arg17[%add3A_782] : memref<16384xf32, #tpu.memory_space<vmem>>[vector<16xi32>], vector<16xf32>,
        %add3A_784 = arith.constant 28 : i32
        %add3A_785 = vector.broadcast %add3A_784 : i32 to vector<16xi32>
        %add3A_786 = arith.addi %mul3A_407, %add3A_785 : vector<16xi32>
        %gather3A_787 = tpu.vector_load_idx %arg18[%add3A_397, %add3A_786] : memref<512x128xf32, #tpu.memory_space<vmem>>[vector<16xi32>, vector<16xi32>], vector<16xf32>,
        %mul3A_788 = arith.mulf %gather3A_783, %gather3A_787 : vector<16xf32>
        %add3A_789 = arith.addf %add3A_776, %mul3A_788 : vector<16xf32>
        %mul3A_790 = arith.constant 32 : i32
        %mul3A_791 = vector.broadcast %mul3A_790 : i32 to vector<16xi32>
        %mul3A_792 = arith.muli %add3A_397, %mul3A_791 : vector<16xi32>
        %add3A_793 = arith.constant 29 : i32
        %add3A_794 = vector.broadcast %add3A_793 : i32 to vector<16xi32>
        %add3A_795 = arith.addi %mul3A_792, %add3A_794 : vector<16xi32>
        %gather3A_796 = tpu.vector_load_idx %arg17[%add3A_795] : memref<16384xf32, #tpu.memory_space<vmem>>[vector<16xi32>], vector<16xf32>,
        %add3A_797 = arith.constant 29 : i32
        %add3A_798 = vector.broadcast %add3A_797 : i32 to vector<16xi32>
        %add3A_799 = arith.addi %mul3A_407, %add3A_798 : vector<16xi32>
        %gather3A_800 = tpu.vector_load_idx %arg18[%add3A_397, %add3A_799] : memref<512x128xf32, #tpu.memory_space<vmem>>[vector<16xi32>, vector<16xi32>], vector<16xf32>,
        %mul3A_801 = arith.mulf %gather3A_796, %gather3A_800 : vector<16xf32>
        %add3A_802 = arith.addf %add3A_789, %mul3A_801 : vector<16xf32>
        %mul3A_803 = arith.constant 32 : i32
        %mul3A_804 = vector.broadcast %mul3A_803 : i32 to vector<16xi32>
        %mul3A_805 = arith.muli %add3A_397, %mul3A_804 : vector<16xi32>
        %add3A_806 = arith.constant 30 : i32
        %add3A_807 = vector.broadcast %add3A_806 : i32 to vector<16xi32>
        %add3A_808 = arith.addi %mul3A_805, %add3A_807 : vector<16xi32>
        %gather3A_809 = tpu.vector_load_idx %arg17[%add3A_808] : memref<16384xf32, #tpu.memory_space<vmem>>[vector<16xi32>], vector<16xf32>,
        %add3A_810 = arith.constant 30 : i32
        %add3A_811 = vector.broadcast %add3A_810 : i32 to vector<16xi32>
        %add3A_812 = arith.addi %mul3A_407, %add3A_811 : vector<16xi32>
        %gather3A_813 = tpu.vector_load_idx %arg18[%add3A_397, %add3A_812] : memref<512x128xf32, #tpu.memory_space<vmem>>[vector<16xi32>, vector<16xi32>], vector<16xf32>,
        %mul3A_814 = arith.mulf %gather3A_809, %gather3A_813 : vector<16xf32>
        %add3A_815 = arith.addf %add3A_802, %mul3A_814 : vector<16xf32>
        %mul3A_816 = arith.constant 32 : i32
        %mul3A_817 = vector.broadcast %mul3A_816 : i32 to vector<16xi32>
        %mul3A_818 = arith.muli %add3A_397, %mul3A_817 : vector<16xi32>
        %add3A_819 = arith.constant 31 : i32
        %add3A_820 = vector.broadcast %add3A_819 : i32 to vector<16xi32>
        %add3A_821 = arith.addi %mul3A_818, %add3A_820 : vector<16xi32>
        %gather3A_822 = tpu.vector_load_idx %arg17[%add3A_821] : memref<16384xf32, #tpu.memory_space<vmem>>[vector<16xi32>], vector<16xf32>,
        %add3A_823 = arith.constant 31 : i32
        %add3A_824 = vector.broadcast %add3A_823 : i32 to vector<16xi32>
        %add3A_825 = arith.addi %mul3A_407, %add3A_824 : vector<16xi32>
        %gather3A_826 = tpu.vector_load_idx %arg18[%add3A_397, %add3A_825] : memref<512x128xf32, #tpu.memory_space<vmem>>[vector<16xi32>, vector<16xi32>], vector<16xf32>,
        %mul3A_827 = arith.mulf %gather3A_822, %gather3A_826 : vector<16xf32>
        %add3A_828 = arith.addf %add3A_815, %mul3A_827 : vector<16xf32>
        %neg3A = arith.constant 0.000000e+00 : f32
        %neg3A_829 = vector.broadcast %neg3A : f32 to vector<16xf32>
        %neg3A_830 = arith.subf %neg3A_829, %add3A_828 : vector<16xf32>
        %exp3A = math.exp %neg3A_830 : vector<16xf32>
        %add3A_831 = arith.constant 1.000000e+00 : f32
        %add3A_832 = vector.broadcast %add3A_831 : f32 to vector<16xf32>
        %add3A_833 = arith.addf %add3A_832, %exp3A : vector<16xf32>
        %div3A = arith.constant 1.000000e+00 : f32
        %div3A_834 = vector.broadcast %div3A : f32 to vector<16xf32>
        %div3A_835 = arith.divf %div3A_834, %add3A_833 : vector<16xf32>
        %mul3A_836 = arith.constant 4.000000e+00 : f32
        %mul3A_837 = vector.broadcast %mul3A_836 : f32 to vector<16xf32>
        %mul3A_838 = arith.mulf %div3A_835, %mul3A_837 : vector<16xf32>
        %add3A_839 = arith.constant 1.000000e+00 : f32
        %add3A_840 = vector.broadcast %add3A_839 : f32 to vector<16xf32>
        %add3A_841 = arith.addf %mul3A_838, %add3A_840 : vector<16xf32>
        %swap3A_842 = arith.index_cast %mul3A_399 : i32 to index
        %swap3A_843 = tpu.vector_load %arg21[%swap3A_842] {strides = array<i32>} : memref<512xf32, #tpu.memory_space<vmem>>, vector<16xf32>,
        tpu.vector_store %arg21[%swap3A_842], %add3A_841 {strides = array<i32>} : memref<512xf32, #tpu.memory_space<vmem>>, vector<16xf32>,
      } else {
      }
    }
    %scan3A_348 = arith.constant 512 : i32
    "tpu.region"() ({
      %run_scoped3A = tpu.sem_alloc : memref<!tpu.dma_semaphore, #tpu.memory_space<semaphore_mem>>
      %dma_start3A_349 = tpu.memref_slice %arg8[%mul3A_2] : memref<16384xf32, #tpu.memory_space<hbm>> -> memref<512xf32, #tpu.memory_space<hbm>>
      %dma_start3A_350 = tpu.memref_slice %arg8[%mul3A_2] : memref<16384xf32, #tpu.memory_space<hbm>> -> memref<512xf32, #tpu.memory_space<hbm>>
      tpu.enqueue_dma source(%arg21 : memref<512xf32, #tpu.memory_space<vmem>>) target(%dma_start3A_350 : memref<512xf32, #tpu.memory_space<hbm>>) target_semaphore(%run_scoped3A : memref<!tpu.dma_semaphore, #tpu.memory_space<semaphore_mem>>)
      %dma_wait3A_351 = tpu.memref_slice %arg8[%mul3A_2] : memref<16384xf32, #tpu.memory_space<hbm>> -> memref<512xf32, #tpu.memory_space<hbm>>
      %dma_wait3A_352 = tpu.memref_slice %arg8[%mul3A_2] : memref<16384xf32, #tpu.memory_space<hbm>> -> memref<512xf32, #tpu.memory_space<hbm>>
      tpu.wait_dma2 semaphore(%run_scoped3A : memref<!tpu.dma_semaphore, #tpu.memory_space<semaphore_mem>>) src(%arg21 : memref<512xf32, #tpu.memory_space<vmem>>) dst(%dma_wait3A_352 : memref<512xf32, #tpu.memory_space<hbm>>)
      tpu.yield
    }) : () -> ()
    return
  }
}

</mosaic_0001>

<sc_bundles>
// kernel: kernel.3.cloned.1.call-start
scs
__scs_entry_jumppad:
0x0: {  	(pc) =	sbr.rel $0x88, $3  }
0x1: {  	(tag) =	ssettag $0x0;
	lr =	simm.s32 $0x1  }
0x2: {  	[smem:$0x3F9B] =	sst lr;
	_ =	strace $0xD0000000  }
0x3: {  	_ = 	snop  }
0x4: {  	_ = 	snop  }
0x5: {  	_ = 	snop  }
0x6: {  	_ = 	snop  }
0x7: {  	_ = 	snop  }
__scs_overlays_trampoline_lowered:
0x8: {  	[smem:$0x3FAA] =	sst s0  }
0x9: {  	[smem:$0x3FAB] =	sst s1  }
0xa: {  	[smem:$0x3FAC] =	sst s2  }
0xb: {  	[smem:$0x3FAD] =	sst s3  }
0xc: {  	[smem:$0x3FAE] =	sst s4  }
0xd: {  	[smem:$0x3FAF] =	sst s5  }
0xe: {  	[smem:$0x3FB0] =	sst s6  }
0xf: {  	[smem:$0x3FB1] =	sst s7  }
0x10: {  	[smem:$0x3FB2] =	sst s8  }
0x11: {  	[smem:$0x3FB3] =	sst s9;
	s0 =	simm.s32 @!p0 $0x0  }
0x12: {  	s1 =	sld [smem:$0x3F99];
	s0 =	simm.s32 @p0 $0x1  }
0x13: {  	[smem:$0x3FB4] =	sst s0;
	s0 =	simm.s32 @!p1 $0x0  }
0x14: {  	s2 =	sld [smem:$0x3F98];
	s0 =	simm.s32 @p1 $0x1  }
0x15: {  	[smem:$0x3FB5] =	sst s0;
	s0 =	simm.s32 @!p2 $0x0  }
0x16: {  	s3 =	sld [smem:$0x3FDB];
	s0 =	simm.s32 @p2 $0x1  }
0x17: {  	s4 =	simm.s32 $0x1BF5;
	[smem:$0x3FB7] =	sst s0  }
0x18: {  	s0 =	sld [smem:$0x3F9A];
	_ =	swait.ge [sflag:s4], $0x0  }
0x19: {  	s7 =	sld [smem:$0x3F9B]  }
0x1a: {  	s8 =	sadd.s32 $0xFFFFE003, lr  }
0x1b: {  	s9 =	sadd.s32 $0xFFFFFEF7, lr;
	s5 =	simm.s32 $0xFFFFFFFF;
	p2 =	slt.u32 s8, $0xFFFFF086  }
0x1c: {  	p1 =	slt.u32 s9, $0xF7A;
	s5 =	simm.s32 @!p2 $0x0  }
0x1d: {  	s5 =	simm.s32 @p1 $0x1;
	p0 =	seq.s32 s7, s2  }
0x1e: {  	s7 =	smul.u32 @!p0 $0xF7A, s2;
	p2 =	seq.s32 @!p0 s5, $0x0  }
0x1f: {  	s9 =	smul.u32 $0xF7A, s1;
	s8 =	simm.s32 @!p0 $0x1BF5;
	p2 =	por !p2, p0  }
0x20: {  	[sflag:s8] =	ssyncset.s32 @!p0 $0xFFFFF086;
	s6 =	sadd.s32 @!p0 s3, s7;
	s7 =	simm.s32 @!p0 $0x108  }
0x21: {  	s3 =	sadd.s32 s3, s9;
	s6 =	sadd.s32 @!p0 $0x88, s6;
	s7 =	simm.s32 @p2 $0x1082  }
0x22: {  	[simem:s7], [sflag:s8] =	dma.local @!p0 [hbm:s6], $0xF7A  }
0x23: {  	s9 =	sor.u32 $0xD0000000, s2;
	s6 =	simm.s32 $0x108;
	_ =	swait.ge @!p0 [sflag:s8], $0x0  }
0x24: {  	s3 =	sadd.s32 $0x88, s3;
	s6 =	simm.s32 @!p1 $0x1082;
	[sflag:s4] =	ssyncset.s32 $0xFFFFF086  }
0x25: {  	[simem:s6], [sflag:s4] =	dma.local [hbm:s3], $0xF7A  }
0x26: {  	[smem:$0x3F9B] =	sst s1;
	(tag) =	ssettag s2;
	_ =	strace s9  }
0x27: {  	s1 =	sld [smem:$0x3FAB]  }
0x28: {  	s2 =	sld [smem:$0x3FAC]  }
0x29: {  	s4 =	sld [smem:$0x3FAE]  }
0x2a: {  	p0 =	seq.s32 s5, $0x0;
	s5 =	sld [smem:$0x3FAF]  }
0x2b: {  	s6 =	sld [smem:$0x3FB0]  }
0x2c: {  	s7 =	sld [smem:$0x3FB1]  }
0x2d: {  	s3 =	simm.s32 $0x108;
	s8 =	sld [smem:$0x3FB2]  }
0x2e: {  	s3 =	simm.s32 @!p0 $0x1082;
	s9 =	sld [smem:$0x3FB3]  }
0x2f: {  	lr =	sadd.s32 s0, s3;
	s0 =	sld [smem:$0x3FAA]  }
0x30: {  	s3 =	sld [smem:$0x3FAD]  }
0x31: {  	[smem:$0x3FB6] =	sst s10  }
0x32: {  	s10 =	sld [smem:$0x3FB4];
	_ =	sdelay $0x3  }
0x33: {  	p0 =	seq.s32 s10, $0x1;
	s10 =	sld [smem:$0x3FB6];
	_ =	sdelay $0x3  }
0x34: {  	[smem:$0x3FB6] =	sst s10  }
0x35: {  	s10 =	sld [smem:$0x3FB5];
	_ =	sdelay $0x3  }
0x36: {  	p1 =	seq.s32 s10, $0x1;
	s10 =	sld [smem:$0x3FB6];
	_ =	sdelay $0x3  }
0x37: {  	[smem:$0x3FB6] =	sst s10  }
0x38: {  	s10 =	sld [smem:$0x3FB7]  }
0x39: {  	_ = 	snop;
	(pc) =	sbr.ind lr, $3  }
0x3a: {  	_ = 	snop  }
0x3b: {  	_ = 	snop  }
0x3c: {  	p2 =	seq.s32 s10, $0x1;
	s10 =	sld [smem:$0x3FB6]  }
0x3d: {  	_ =	shalt  }
0x3e: {  	_ =	shalt  }
0x3f: {  	_ =	shalt  }
0x40: {  	_ =	shalt  }
0x41: {  	_ =	shalt  }
0x42: {  	_ =	shalt  }
0x43: {  	_ =	shalt  }
0x44: {  	_ =	shalt  }
0x45: {  	_ =	shalt  }
0x46: {  	_ =	shalt  }
0x47: {  	_ =	shalt  }
0x48: {  	_ =	shalt  }
0x49: {  	_ =	shalt  }
0x4a: {  	_ =	shalt  }
0x4b: {  	_ =	shalt  }
0x4c: {  	_ =	shalt  }
0x4d: {  	_ =	shalt  }
0x4e: {  	_ =	shalt  }
0x4f: {  	_ =	shalt  }
0x50: {  	_ =	shalt  }
0x51: {  	_ =	shalt  }
0x52: {  	_ =	shalt  }
0x53: {  	_ =	shalt  }
0x54: {  	_ =	shalt  }
0x55: {  	_ =	shalt  }
0x56: {  	_ =	shalt  }
0x57: {  	_ =	shalt  }
0x58: {  	_ =	shalt  }
0x59: {  	_ =	shalt  }
0x5a: {  	_ =	shalt  }
0x5b: {  	_ =	shalt  }
0x5c: {  	_ =	shalt  }
0x5d: {  	_ =	shalt  }
0x5e: {  	_ =	shalt  }
0x5f: {  	_ =	shalt  }
0x60: {  	_ =	shalt  }
0x61: {  	_ =	shalt  }
0x62: {  	_ =	shalt  }
0x63: {  	_ =	shalt  }
0x64: {  	_ =	shalt  }
0x65: {  	_ =	shalt  }
0x66: {  	_ =	shalt  }
0x67: {  	_ =	shalt  }
0x68: {  	_ =	shalt  }
0x69: {  	_ =	shalt  }
0x6a: {  	_ =	shalt  }
0x6b: {  	_ =	shalt  }
0x6c: {  	_ =	shalt  }
0x6d: {  	_ =	shalt  }
0x6e: {  	_ =	shalt  }
0x6f: {  	_ =	shalt  }
0x70: {  	_ =	shalt  }
0x71: {  	_ =	shalt  }
0x72: {  	_ =	shalt  }
0x73: {  	_ =	shalt  }
0x74: {  	_ =	shalt  }
0x75: {  	_ =	shalt  }
0x76: {  	_ =	shalt  }
0x77: {  	_ =	shalt  }
0x78: {  	_ =	shalt  }
0x79: {  	_ =	shalt  }
0x7a: {  	_ =	shalt  }
0x7b: {  	_ =	shalt  }
0x7c: {  	_ =	shalt  }
0x7d: {  	_ =	shalt  }
0x7e: {  	_ =	shalt  }
0x7f: {  	_ =	shalt  }
0x80: {  	_ =	shalt  }
0x81: {  	_ =	shalt  }
0x82: {  	_ =	shalt  }
0x83: {  	_ =	shalt  }
0x84: {  	_ =	shalt  }
0x85: {  	_ =	shalt  }
0x86: {  	_ =	shalt  }
0x87: {  	_ =	shalt  }
.Lfunc_end0:
.L_simem_size_0:
called_computation_lowered:
.L_overlay_start_0:
0x88: {  	s2 =	sld [smem:$0x3FD9]  }
0x89: {  	s3 =	sld [smem:$0x3FFE];
	_ =	sdelay $0x1  }
0x8a: {  	s1 =	srdreg.scid  }
0x8b: {  	s0 =	sand.u32 $0x1, s1  }
0x8c: {  	s17 =	sshll.u32 s0, $0xA;
	s2 =	sadd.s32 s3, s2  }
0x8d: {  	s2 =	sadd.s32 s2, s17  }
0x8e: {  	[smem:$0x3FC2] =	sst s2  }
0x8f: {  	_ = 	snop  }
0x90: {  	s2 =	sld [smem:$0x3FC9]  }
0x91: {  	s18 =	sld [smem:$0x3FC8]  }
0x92: {  	s4 =	sld [smem:$0x3FC7]  }
0x93: {  	s5 =	sld [smem:$0x3FD0];
	(tm) =	ssettm $0x1  }
0x94: {  	s6 =	sld [smem:$0x3FFB];
	_ =	sdelay $0x3  }
0x95: {  	_ =	strace s6  }
0x96: {  	s6 =	sld [smem:$0x3FFC];
	_ =	sdelay $0x3  }
0x97: {  	_ =	strace s6  }
0x98: {  	s6 =	sld [smem:$0x3FFD];
	_ =	sdelay $0x3  }
0x99: {  	_ =	strace s6  }
0x9a: {  	_ =	strace $0x8FFFFFFF  }
0x9b: {  	s19 =	sld [smem:$0x3FDB];
	_ =	sdelay $0x1  }
0x9c: {  	s7 =	simm.s32 $_scs_section_size  }
0x9d: {  	s8 =	simm.s32 $_size__tile_overlayer_lowered;
	s9 =	simm.s32 $_tile_overlayer_lowered  }
0x9e: {  	s22 =	simm.s32 $0x1BFF;
	s21 =	sshll.u32 s9, $0x1;
	s6 =	sadd.s32 s7, s19  }
0x9f: {  	s10 =	simm.s32 $0x0;
	s20 =	sshll.u32 s8, $0x1;
	s8 =	sadd.s32 s21, s6  }
0xa0: {  	[timem:s10], [sflag:s22] =	dma.local [hbm:s8], s20  }
0xa1: {  	_ =	swait.ge [sflag:s22], s20  }
0xa2: {  	s7 =	ssub.s32 $0x0, s20;
	[sflag:s22] =	ssyncset.done $0x0  }
0xa3: {  	[sflag:s22] =	ssyncadd.s32 s7;
	_ =	sdelay $0x1  }
0xa4: {  	s23 =	simm.s32 $0x1B8B  }
0xa5: {  	_ =	swait.ge [sflag:s23], $0x1  }
0xa6: {  	[sflag:s23] =	ssyncset.done $0x0  }
0xa7: {  	s25 =	simm.s32 $0x1B8E;
	s24 =	sld [smem:$0x3FFE];
	[sflag:s23] =	ssyncadd.s32 $0xFFFFFFFF  }
0xa8: {  	s26 =	simm.s32 $execute0_lowered;
	[smem:$0x3FD2] =	sst s25  }
0xa9: {  	s8 =	sshll.u32 s26, $0x1;
	_ =	strace $0x80000046;
	[dreg:$0x1] =	wrdreg $0xFFFFFFFF  }
0xaa: {  	s28 =	simm.s32 $_size_execute0_lowered;
	s6 =	sadd.s32 s6, s8;
	[dreg:$0x0] =	wrdreg $0x0  }
0xab: {  	s8 =	sshll.u32 s28, $0x1;
	[dreg:$0x2] =	wrdreg s6  }
0xac: {  	[dreg:$0x3] =	wrdreg s8  }
0xad: {  	[dreg:$0x4] =	wrdreg $0xC0  }
0xae: {  	_ =	task [dreg:s10], $0x5FFFF  }
0xaf: {  	[dreg:$0x1] =	wrdreg $0xFFFFFFFF  }
0xb0: {  	[dreg:$0x0] =	wrdreg $0x60  }
0xb1: {  	[dreg:$0x2] =	wrdreg s2  }
0xb2: {  	[dreg:$0x3] =	wrdreg s18  }
0xb3: {  	[dreg:$0x4] =	wrdreg s4  }
0xb4: {  	[dreg:$0x5] =	wrdreg s24  }
0xb5: {  	[dreg:$0x6] =	wrdreg s5  }
0xb6: {  	[dreg:$0x7] =	wrdreg $0x9  }
0xb7: {  	_ =	task.clear_ibuf [dreg:s10], $0x8FFFF;
	_ =	strace $0x90000046  }
0xb8: {  	s29 =	simm.s32 $0x9;
	_ =	strace $0x80000048  }
0xb9: {  	_ =	swait.ge [sflag:s29], $0x1  }
0xba: {  	[sflag:s29] =	ssyncadd.s32 $0xFFFFFFFF  }
0xbb: {  	_ =	strace $0x90000048  }
0xbc: {  	_ =	sfence  }
0xbd: {  	s30 =	sld [smem:$0x0];
	_ =	sdelay $0x2  }
0xbe: {  	s31 =	sshll.u32 s1, $0xD;
	s1 =	sshrl.u32 s1, $0x2  }
0xbf: {  	s3 =	sand.u32 $0x4000, s31;
	s1 =	sadd.s32 s1, s30  }
0xc0: {  	s0 =	sor.u32 s3, s0;
	s1 =	sshll.u32 s1, $0x11  }
0xc1: {  	s0 =	sor.u32 s1, s0  }
0xc2: {  	s0 =	sadd.s32 $0x8F2B, s0  }
0xc3: {  	[sflag:s0] =	ssyncadd.remote.s32 $0x1  }
0xc4: {  	_ =	sfence.sel $0xFFFF  }
0xc5: {  	[dreg:$0x0] =	wrdreg $0xFFFFFFFF;
	(pc) =	sbr.abs _section_cstart, $3  }
0xc6: {  	[dreg:$0x1] =	wrdreg $0xFFFFFFFF  }
0xc7: {  	_ =	task.clear_ibuf [dreg:s10], $0x2FFFF;
	_ =	strace $0x9FFFFFFF  }
0xc8: {  	(tm) =	ssettm $0x7FFFFFFF  }
0xc9: {  	_ =	shalt  }
tec
execute0_lowered:
.L_overlay_start_1:
0x0: {  	(tag) =	ssettag $0x1  }
0x1: {  	s0 =	rddreg [dreg:$0x0]  }
0x2: {  	s4 =	rddreg [dreg:$0x1]  }
0x3: {  	s1 =	rddreg [dreg:$0x2]  }
0x4: {  	s2 =	rddreg [dreg:$0x3]  }
0x5: {  	s9 =	rddreg [dreg:$0x4];
	s3 =	simm.s32 $0x0;
	s5 =	srdreg.scid  }
0x6: {  	s10 =	stileid.u32;
	s13 =	simm.s32 $0x80;
	s17 =	simm.s32 $0xCA00  }
0x7: {  	s15 =	simm.s32 $0x400;
	s16 =	simm.s32 $0x7A1400;
	s18 =	simm.s32 $0xA00  }
0x8: {  	s23 =	simm.s32 $0x5A00;
	s24 =	simm.s32 $0x6A00;
	s25 =	simm.s32 $0x7A00  }
0x9: {  	s26 =	simm.s32 $0x9;
	s28 =	simm.s32 $0x8A00;
	s29 =	simm.s32 $0x1CE00  }
0xa: {  	s30 =	simm.s32 $0x0;
	[smem:$0x7FF] =	sst s3;
	s6 =	sand.u32 $0x1, s5  }
.Ltmp0:
0xb: {  	s5 =	sadd.s32 $0x186A00, s2;
	s10 =	sshll.u32 s10, $0x7;
	(pc) =	sbr.rel .LBB2_1-.Ltmp0, $4  }
0xc: {  	v0 =	vlaneseq.u32;
	_ =	strace $0x80000047;
	s7 =	ssub.s32 $0x2, s6;
	s11 =	sshll.u32 s6, $0x6  }
0xd: {  	v1 =	vmul.u32 $0x80, v0;
	s6 =	sadd.s32 $0x1EA00, s2;
	s8 =	sshrl.u32 s7, $0x1;
	s10 =	sor.u32 s11, s10  }
0xe: {  	s11 =	simm.s32 $0xA;
	s12 =	ssub.s32 s7, s8;
	s7 =	sadd.s32 s0, s10  }
0xf: {  	v2 =	vor.u32 $0x800, v1;
	s8 =	sadd.s32 s4, s10;
	s9 =	sadd.s32 s9, s10;
	s10 =	smax.u32 s12, $0x1  }
.LBB2_9:
0x10: {  	s30 =	sadd.s32 $0x1, s30  }
0x11: {  	p0 =	sne.s32 s30, s10  }
.Ltmp1:
0x12: {  	_ = 	snop;
	(pc) =	sbr.rel @!p0 .LBB2_10-.Ltmp1, $4  }
0x13: {  	[hbm4b:s9+s3] =	stream.linear.scatter [tilespmem:s29], [sflag:$0xA], $0x200, $0x38;
	[tilespmem:$0x1D000] =	vst v63  }
0x14: {  	_ =	swait.ge [sflag:s11], $0x200  }
0x15: {  	[sflag:s11] =	ssyncset.done $0x0  }
0x16: {  	[sflag:s11] =	ssyncadd.s32 $0xFFFFFE00  }
.LBB2_1:
0x17: {  	[tilespmem:s3], [sflag:$0xA] =	stream.linear.gather [hbm4b:s7+s3], $0x200, $0x38;
	[tilespmem:$0x1D000] =	vst v63  }
0x18: {  	_ =	swait.ge [sflag:s11], $0x200  }
0x19: {  	[sflag:s11] =	ssyncset.done $0x0  }
0x1a: {  	s0 =	simm.s32 $0x200;
	[sflag:s11] =	ssyncadd.s32 $0xFFFFFE00  }
0x1b: {  	[tilespmem:s0], [sflag:$0xA] =	stream.linear.gather [hbm4b:s8+s3], $0x200, $0x38;
	[tilespmem:$0x1D000] =	vst v63  }
0x1c: {  	_ =	swait.ge [sflag:s11], $0x200  }
0x1d: {  	[sflag:s11] =	ssyncset.done $0x0  }
0x1e: {  	s0 =	simm.s32 $0x0;
	[sflag:s11] =	ssyncadd.s32 $0xFFFFFE00  }
0x1f: {  	v3 =	vld [tilespmem:s0+$0x200]  }
0x20: {  	v4 =	vld [tilespmem:s0+$0x0]  }
0x21: {  	s4 =	simm.s32 $0x40  }
.LBB2_2:
0x22: {  	p0 =	sne.s32 s4, $0x7C0  }
.Ltmp2:
0x23: {  	_ = 	snop;
	(pc) =	sbr.rel @p0 .LBB2_2-.Ltmp2, $4  }
0x24: {  	s12 =	sshra.s32 s4, $0x2;
	v5 =	vshrl.u32 v3, $0x2  }
0x25: {  	v3 =	vld [tilespmem:s12+$0x200];
	v6 =	vshrl.u32 v4, $0x7;
	[tilespmem:s0+$0x800] =	vst v5  }
0x26: {  	v7 =	vand.u32 $0x7F, v4;
	v4 =	vld [tilespmem:s12+$0x0];
	[tilespmem:s0+$0x400] =	vst v6  }
0x27: {  	s4 =	sadd.s32 $0x40, s4;
	[tilespmem:s0+$0x600] =	vst v7;
	s0 =	smov.u32 s12  }
0x28: {  	_ =	sdelay $0x1  }
0x29: {  	v3 =	vshrl.u32 v3, $0x2  }
0x2a: {  	v5 =	vshrl.u32 v4, $0x7;
	[tilespmem:s0+$0x800] =	vst v3  }
0x2b: {  	v3 =	vand.u32 $0x7F, v4;
	[tilespmem:s0+$0x400] =	vst v5  }
0x2c: {  	[tilespmem:s0+$0x600] =	vst v3;
	s0 =	simm.s32 $0x0  }
0x2d: {  	v5 =	vld [tilespmem:s0+$0x400]  }
0x2e: {  	v6 =	vld [tilespmem:s0+$0x600];
	_ =	sdelay $0x3  }
0x2f: {  	(v2sf) =	vpush v5, $0x0  }
0x30: {  	(v2sf) =	vpush v6, $0x0;
	_ =	sdelay $0x1  }
0x31: {  	(v2sf) =	vpush v5, $0x1  }
0x32: {  	(v2sf) =	vpush v6, $0x1  }
0x33: {  	(v2sf) =	vpush v5, $0x2  }
0x34: {  	(v2sf) =	vpush v6, $0x2  }
0x35: {  	(v2sf) =	vpush v5, $0x3  }
0x36: {  	(v2sf) =	vpush v6, $0x3  }
0x37: {  	(v2sf) =	vpush v5, $0x4  }
0x38: {  	(v2sf) =	vpush v6, $0x4  }
0x39: {  	(v2sf) =	vpush v5, $0x5  }
0x3a: {  	(v2sf) =	vpush v6, $0x5  }
0x3b: {  	(v2sf) =	vpush v5, $0x6  }
0x3c: {  	(v2sf) =	vpush v6, $0x6  }
0x3d: {  	(v2sf) =	vpush v5, $0x7;
	s4 =	spop (v2sf)  }
0x3e: {  	(v2sf) =	vpush v6, $0x7;
	[smem:s0] =	sst s4;
	s31 =	spop (v2sf)  }
0x3f: {  	(v2sf) =	vpush v5, $0x8;
	[smem:$0x200] =	sst s31  }
0x40: {  	s4 =	spop (v2sf)  }
0x41: {  	(v2sf) =	vpush v6, $0x8;
	[smem:$0x1] =	sst s4  }
0x42: {  	s4 =	spop (v2sf)  }
0x43: {  	(v2sf) =	vpush v5, $0x9;
	[smem:$0x201] =	sst s4  }
0x44: {  	s4 =	spop (v2sf)  }
0x45: {  	(v2sf) =	vpush v6, $0x9;
	[smem:$0x2] =	sst s4  }
0x46: {  	s4 =	spop (v2sf)  }
0x47: {  	(v2sf) =	vpush v5, $0xA;
	[smem:$0x202] =	sst s4  }
0x48: {  	s4 =	spop (v2sf)  }
0x49: {  	(v2sf) =	vpush v6, $0xA;
	[smem:$0x3] =	sst s4  }
0x4a: {  	s4 =	spop (v2sf)  }
0x4b: {  	(v2sf) =	vpush v5, $0xB;
	[smem:$0x203] =	sst s4  }
0x4c: {  	s4 =	spop (v2sf)  }
0x4d: {  	(v2sf) =	vpush v6, $0xB;
	[smem:$0x4] =	sst s4  }
0x4e: {  	s4 =	spop (v2sf)  }
0x4f: {  	(v2sf) =	vpush v5, $0xC;
	[smem:$0x204] =	sst s4  }
0x50: {  	s4 =	spop (v2sf)  }
0x51: {  	(v2sf) =	vpush v6, $0xC;
	[smem:$0x5] =	sst s4  }
0x52: {  	s12 =	spop (v2sf)  }
0x53: {  	(v2sf) =	vpush v5, $0xD;
	[smem:$0x205] =	sst s12  }
0x54: {  	s4 =	simm.s32 $0x10;
	s12 =	spop (v2sf)  }
0x55: {  	(v2sf) =	vpush v6, $0xD;
	v3 =	vld [tilespmem:s4+$0x400];
	[smem:$0x6] =	sst s12  }
0x56: {  	s12 =	spop (v2sf)  }
0x57: {  	(v2sf) =	vpush v5, $0xE;
	v4 =	vld [tilespmem:s4+$0x600];
	[smem:$0x206] =	sst s12  }
0x58: {  	s12 =	spop (v2sf)  }
0x59: {  	(v2sf) =	vpush v6, $0xE;
	[smem:$0x7] =	sst s12  }
0x5a: {  	s12 =	spop (v2sf)  }
0x5b: {  	(v2sf) =	vpush v5, $0xF;
	[smem:$0x207] =	sst s12  }
0x5c: {  	s12 =	spop (v2sf)  }
0x5d: {  	(v2sf) =	vpush v6, $0xF;
	[smem:$0x8] =	sst s12  }
0x5e: {  	s12 =	spop (v2sf)  }
0x5f: {  	(v2sf) =	vpush v3, $0x0;
	[smem:$0x208] =	sst s12  }
0x60: {  	s12 =	spop (v2sf)  }
0x61: {  	(v2sf) =	vpush v4, $0x0;
	[smem:$0x9] =	sst s12  }
0x62: {  	s12 =	spop (v2sf)  }
0x63: {  	(v2sf) =	vpush v3, $0x1;
	[smem:$0x209] =	sst s12  }
0x64: {  	s12 =	spop (v2sf)  }
0x65: {  	(v2sf) =	vpush v4, $0x1;
	[smem:$0xA] =	sst s12  }
0x66: {  	s12 =	spop (v2sf)  }
0x67: {  	(v2sf) =	vpush v3, $0x2;
	[smem:$0x20A] =	sst s12  }
0x68: {  	s12 =	spop (v2sf)  }
0x69: {  	(v2sf) =	vpush v4, $0x2;
	[smem:$0xB] =	sst s12  }
0x6a: {  	s12 =	spop (v2sf)  }
0x6b: {  	(v2sf) =	vpush v3, $0x3;
	[smem:$0x20B] =	sst s12  }
0x6c: {  	s12 =	spop (v2sf)  }
0x6d: {  	(v2sf) =	vpush v4, $0x3;
	[smem:$0xC] =	sst s12  }
0x6e: {  	s12 =	spop (v2sf)  }
0x6f: {  	(v2sf) =	vpush v3, $0x4;
	[smem:$0x20C] =	sst s12  }
0x70: {  	s12 =	spop (v2sf)  }
0x71: {  	(v2sf) =	vpush v4, $0x4;
	[smem:$0xD] =	sst s12  }
0x72: {  	s12 =	spop (v2sf)  }
0x73: {  	(v2sf) =	vpush v3, $0x5;
	[smem:$0x20D] =	sst s12  }
0x74: {  	s12 =	spop (v2sf)  }
0x75: {  	(v2sf) =	vpush v4, $0x5;
	[smem:$0xE] =	sst s12  }
0x76: {  	s12 =	spop (v2sf)  }
0x77: {  	(v2sf) =	vpush v3, $0x6;
	[smem:$0x20E] =	sst s12  }
0x78: {  	s12 =	spop (v2sf)  }
0x79: {  	(v2sf) =	vpush v4, $0x6;
	[smem:$0xF] =	sst s12  }
0x7a: {  	s12 =	simm.s32 $0x80;
	s14 =	spop (v2sf)  }
.LBB2_4:
0x7b: {  	p0 =	sne.s32 s12, $0x7C0;
	[smem:s0+$0x20F] =	sst s14  }
0x7c: {  	(v2sf) =	vpush v3, $0x7;
	s14 =	smov.u32 s12;
	s12 =	sadd.s32 $0x40, s12;
	s0 =	smov.u32 s4  }
0x7d: {  	s4 =	spop (v2sf);
	(v2sf) =	vpush v4, $0x7  }
0x7e: {  	[smem:s0] =	sst s4;
	s4 =	spop (v2sf);
	(v2sf) =	vpush v3, $0x8  }
0x7f: {  	[smem:s0+$0x200] =	sst s4;
	s4 =	spop (v2sf);
	(v2sf) =	vpush v4, $0x8  }
0x80: {  	[smem:s0+$0x1] =	sst s4;
	s4 =	spop (v2sf);
	(v2sf) =	vpush v3, $0x9  }
0x81: {  	[smem:s0+$0x201] =	sst s4;
	s4 =	spop (v2sf);
	(v2sf) =	vpush v4, $0x9  }
0x82: {  	[smem:s0+$0x2] =	sst s4;
	s4 =	spop (v2sf);
	(v2sf) =	vpush v3, $0xA  }
0x83: {  	[smem:s0+$0x202] =	sst s4;
	s4 =	spop (v2sf);
	(v2sf) =	vpush v4, $0xA  }
0x84: {  	[smem:s0+$0x3] =	sst s4;
	s4 =	spop (v2sf);
	(v2sf) =	vpush v3, $0xB  }
0x85: {  	[smem:s0+$0x203] =	sst s4;
	s4 =	spop (v2sf);
	(v2sf) =	vpush v4, $0xB  }
0x86: {  	[smem:s0+$0x4] =	sst s4;
	s4 =	spop (v2sf);
	(v2sf) =	vpush v3, $0xC  }
0x87: {  	[smem:s0+$0x204] =	sst s4;
	s4 =	spop (v2sf);
	(v2sf) =	vpush v4, $0xC  }
0x88: {  	[smem:s0+$0x5] =	sst s4;
	s31 =	spop (v2sf);
	(v2sf) =	vpush v3, $0xD  }
0x89: {  	s4 =	sshra.s32 s14, $0x2;
	[smem:s0+$0x205] =	sst s31;
	s14 =	spop (v2sf);
	(v2sf) =	vpush v4, $0xD  }
0x8a: {  	v5 =	vld [tilespmem:s4+$0x400];
	[smem:s0+$0x6] =	sst s14;
	s14 =	spop (v2sf);
	(v2sf) =	vpush v3, $0xE  }
0x8b: {  	v6 =	vld [tilespmem:s4+$0x600];
	[smem:s0+$0x206] =	sst s14;
	s14 =	spop (v2sf);
	(v2sf) =	vpush v4, $0xE  }
0x8c: {  	[smem:s0+$0x7] =	sst s14;
	s14 =	spop (v2sf);
	(v2sf) =	vpush v3, $0xF  }
0x8d: {  	[smem:s0+$0x207] =	sst s14;
	s14 =	spop (v2sf);
	(v2sf) =	vpush v4, $0xF  }
0x8e: {  	[smem:s0+$0x8] =	sst s14;
	s14 =	spop (v2sf)  }
0x8f: {  	(v2sf) =	vpush v5, $0x0;
	[smem:s0+$0x208] =	sst s14;
	s14 =	spop (v2sf);
	v3 =	vmov v5  }
0x90: {  	(v2sf) =	vpush v6, $0x0;
	[smem:s0+$0x9] =	sst s14;
	s14 =	spop (v2sf);
	v4 =	vmov v6  }
0x91: {  	(v2sf) =	vpush v3, $0x1;
	[smem:s0+$0x209] =	sst s14;
	s14 =	spop (v2sf)  }
0x92: {  	(v2sf) =	vpush v4, $0x1;
	[smem:s0+$0xA] =	sst s14;
	s14 =	spop (v2sf)  }
0x93: {  	(v2sf) =	vpush v3, $0x2;
	[smem:s0+$0x20A] =	sst s14;
	s14 =	spop (v2sf)  }
0x94: {  	(v2sf) =	vpush v4, $0x2;
	[smem:s0+$0xB] =	sst s14;
	s14 =	spop (v2sf)  }
0x95: {  	(v2sf) =	vpush v3, $0x3;
	[smem:s0+$0x20B] =	sst s14;
	s14 =	spop (v2sf)  }
0x96: {  	(v2sf) =	vpush v4, $0x3;
	[smem:s0+$0xC] =	sst s14;
	s14 =	spop (v2sf)  }
0x97: {  	(v2sf) =	vpush v3, $0x4;
	[smem:s0+$0x20C] =	sst s14;
	s14 =	spop (v2sf)  }
0x98: {  	[smem:s0+$0xD] =	sst s14  }
.Ltmp3:
0x99: {  	(v2sf) =	vpush v4, $0x4;
	s14 =	spop (v2sf);
	(pc) =	sbr.rel @p0 .LBB2_4-.Ltmp3, $4  }
0x9a: {  	(v2sf) =	vpush v3, $0x5;
	[smem:s0+$0x20D] =	sst s14;
	s14 =	spop (v2sf)  }
0x9b: {  	(v2sf) =	vpush v4, $0x5;
	[smem:s0+$0xE] =	sst s14;
	s14 =	spop (v2sf)  }
0x9c: {  	(v2sf) =	vpush v3, $0x6;
	[smem:s0+$0x20E] =	sst s14;
	s14 =	spop (v2sf)  }
0x9d: {  	(v2sf) =	vpush v4, $0x6;
	[smem:s0+$0xF] =	sst s14;
	s14 =	spop (v2sf)  }
0x9e: {  	(v2sf) =	vpush v3, $0x7  }
0x9f: {  	[smem:s0+$0x20F] =	sst s14;
	s20 =	spop (v2sf);
	(v2sf) =	vpush v4, $0x7  }
0xa0: {  	[smem:s4] =	sst s20;
	s21 =	spop (v2sf);
	(v2sf) =	vpush v3, $0x8  }
0xa1: {  	[smem:s4+$0x200] =	sst s21;
	s22 =	spop (v2sf);
	(v2sf) =	vpush v4, $0x8  }
0xa2: {  	[smem:s4+$0x1] =	sst s22;
	s12 =	spop (v2sf);
	(v2sf) =	vpush v3, $0x9  }
0xa3: {  	[smem:s4+$0x201] =	sst s12;
	s14 =	spop (v2sf);
	(v2sf) =	vpush v4, $0x9  }
0xa4: {  	[smem:s4+$0x2] =	sst s14;
	s19 =	spop (v2sf);
	(v2sf) =	vpush v3, $0xA  }
0xa5: {  	[smem:s4+$0x202] =	sst s19;
	s20 =	spop (v2sf);
	(v2sf) =	vpush v4, $0xA  }
0xa6: {  	[smem:s4+$0x3] =	sst s20;
	s21 =	spop (v2sf);
	(v2sf) =	vpush v3, $0xB  }
0xa7: {  	[smem:s4+$0x203] =	sst s21;
	s22 =	spop (v2sf)  }
0xa8: {  	(v2sf) =	vpush v4, $0xB;
	[smem:s4+$0x4] =	sst s22;
	s12 =	spop (v2sf)  }
0xa9: {  	(v2sf) =	vpush v3, $0xC;
	[smem:s4+$0x204] =	sst s12;
	s14 =	spop (v2sf)  }
0xaa: {  	[smem:s4+$0x5] =	sst s14;
	s19 =	spop (v2sf)  }
0xab: {  	(v2sf) =	vpush v4, $0xC;
	[smem:s4+$0x205] =	sst s19;
	s20 =	spop (v2sf)  }
0xac: {  	[smem:s4+$0x6] =	sst s20;
	s21 =	spop (v2sf)  }
0xad: {  	(v2sf) =	vpush v3, $0xD;
	[smem:s4+$0x206] =	sst s21;
	s22 =	spop (v2sf)  }
0xae: {  	[smem:s4+$0x7] =	sst s22;
	s12 =	spop (v2sf)  }
0xaf: {  	(v2sf) =	vpush v4, $0xD;
	[smem:s4+$0x207] =	sst s12;
	s14 =	spop (v2sf)  }
0xb0: {  	[smem:s4+$0x8] =	sst s14;
	s19 =	spop (v2sf)  }
0xb1: {  	(v2sf) =	vpush v3, $0xE;
	[smem:s4+$0x208] =	sst s19;
	s20 =	spop (v2sf)  }
0xb2: {  	(v2sf) =	vpush v4, $0xE;
	[smem:s4+$0x9] =	sst s20;
	s21 =	spop (v2sf)  }
0xb3: {  	s31 =	simm.s32 $0x0;
	[smem:s4+$0x209] =	sst s21;
	s22 =	spop (v2sf)  }
0xb4: {  	s0 =	simm.s32 $0x200;
	(v2sf) =	vpush v3, $0xF;
	[smem:s4+$0xA] =	sst s22;
	s12 =	spop (v2sf)  }
0xb5: {  	[smem:s4+$0x20A] =	sst s12;
	s14 =	spop (v2sf);
	s12 =	simm.s32 $0x1CA00  }
0xb6: {  	[tilespmem:s12], [sflag:$0x9] =	stream.indirect.gather [hbm4b:s2+s13], $0x1, s31, s13, $0xb8;
	[tilespmem:$0x1D000] =	vst v63  }
0xb7: {  	(v2sf) =	vpush v4, $0xF;
	s20 =	simm.s32 $0x1CC00;
	[smem:s4+$0xB] =	sst s14;
	s19 =	spop (v2sf)  }
0xb8: {  	s22 =	simm.s32 $0x800;
	[smem:s4+$0x20B] =	sst s19;
	s21 =	spop (v2sf)  }
0xb9: {  	[tilespmem:s20], [sflag:$0x9] =	stream.indirect.gather [hbm4b:s6+s13], $0x1, s0, s13, $0xb8;
	[tilespmem:$0x1D000] =	vst v63  }
0xba: {  	[smem:s4+$0xC] =	sst s21;
	s19 =	spop (v2sf);
	s20 =	simm.s32 $0x1CA80  }
0xbb: {  	[tilespmem:s17], [sflag:$0x9] =	stream.indirect.gather [hbm4b:s5+s13], $0x80, s22, s13, $0xb8;
	[tilespmem:$0x1D000] =	vst v63  }
0xbc: {  	[smem:s4+$0x20C] =	sst s19;
	s19 =	simm.s32 $0x1CC80;
	s21 =	spop (v2sf)  }
0xbd: {  	[tilespmem:s20], [sflag:$0x9] =	stream.indirect.gather [hbm4b:s2+s13], $0x1, s13, s13, $0xb8;
	[tilespmem:$0x1D000] =	vst v63  }
0xbe: {  	s22 =	simm.s32 $0x280;
	[smem:s4+$0xD] =	sst s21;
	s20 =	spop (v2sf)  }
0xbf: {  	[tilespmem:s19], [sflag:$0x9] =	stream.indirect.gather [hbm4b:s6+s13], $0x1, s22, s13, $0xb8;
	[tilespmem:$0x1D000] =	vst v63  }
0xc0: {  	s21 =	simm.s32 $0x880;
	[smem:s4+$0x20D] =	sst s20;
	s20 =	spop (v2sf)  }
0xc1: {  	s22 =	simm.s32 $0x10A00;
	[smem:s4+$0xE] =	sst s20;
	s20 =	spop (v2sf)  }
0xc2: {  	[tilespmem:s22], [sflag:$0x9] =	stream.indirect.gather [hbm4b:s5+s13], $0x80, s21, s13, $0xb8;
	[tilespmem:$0x1D000] =	vst v63  }
0xc3: {  	[smem:s4+$0x20E] =	sst s20;
	s20 =	spop (v2sf)  }
0xc4: {  	s21 =	simm.s32 $0x100;
	s22 =	simm.s32 $0x1CB00;
	[smem:s4+$0xF] =	sst s20  }
0xc5: {  	[tilespmem:s22], [sflag:$0x9] =	stream.indirect.gather [hbm4b:s2+s13], $0x1, s21, s13, $0xb8;
	[tilespmem:$0x1D000] =	vst v63  }
0xc6: {  	s20 =	spop (v2sf);
	s21 =	simm.s32 $0x300;
	s22 =	simm.s32 $0x1CD00  }
0xc7: {  	[tilespmem:s22], [sflag:$0x9] =	stream.indirect.gather [hbm4b:s6+s13], $0x1, s21, s13, $0xb8;
	[tilespmem:$0x1D000] =	vst v63  }
0xc8: {  	[smem:s4+$0x20F] =	sst s20;
	s21 =	simm.s32 $0x900;
	s22 =	simm.s32 $0x14A00  }
0xc9: {  	[tilespmem:s22], [sflag:$0x9] =	stream.indirect.gather [hbm4b:s5+s13], $0x80, s21, s13, $0xb8;
	[tilespmem:$0x1D000] =	vst v63  }
0xca: {  	s20 =	sld [smem:$0x0];
	s21 =	simm.s32 $0x180;
	s22 =	simm.s32 $0x1CB80  }
0xcb: {  	[tilespmem:s22], [sflag:$0x9] =	stream.indirect.gather [hbm4b:s2+s13], $0x1, s21, s13, $0xb8;
	[tilespmem:$0x1D000] =	vst v63  }
0xcc: {  	s14 =	simm.s32 $0x380;
	s19 =	simm.s32 $0x1CD80  }
0xcd: {  	[tilespmem:s19], [sflag:$0x9] =	stream.indirect.gather [hbm4b:s6+s13], $0x1, s14, s13, $0xb8;
	[tilespmem:$0x1D000] =	vst v63  }
0xce: {  	s4 =	sshll.u32 s20, $0x7;
	s19 =	sld [smem:$0x1]  }
0xcf: {  	s4 =	sand.u32 $0x1FFFFF80, s4;
	s21 =	simm.s32 $0x980;
	s22 =	simm.s32 $0x18A00  }
0xd0: {  	[tilespmem:s22], [sflag:$0x9] =	stream.indirect.gather [hbm4b:s5+s13], $0x80, s21, s13, $0xb8;
	[tilespmem:$0x1D000] =	vst v63  }
0xd1: {  	s4 =	sadd.s32 s1, s4;
	s21 =	sld [smem:$0x2];
	s20 =	sshll.u32 s19, $0x7  }
0xd2: {  	[tilespmem:s18], [sflag:$0x1] =	stream.strided.gather [hbm4b:s4+s15], $0x1000, s16, s15, $0x38;
	[tilespmem:$0x1D000] =	vst v63  }
0xd3: {  	s22 =	simm.s32 $0x1A00;
	s4 =	sand.u32 $0x1FFFFF80, s20  }
0xd4: {  	s19 =	sld [smem:$0x3];
	s4 =	sadd.s32 s1, s4;
	s14 =	sshll.u32 s21, $0x7  }
0xd5: {  	[tilespmem:s22], [sflag:$0x2] =	stream.strided.gather [hbm4b:s4+s15], $0x1000, s16, s15, $0x38;
	[tilespmem:$0x1D000] =	vst v63  }
0xd6: {  	s20 =	simm.s32 $0x2A00;
	s4 =	sand.u32 $0x1FFFFF80, s14  }
0xd7: {  	s21 =	sshll.u32 s19, $0x7;
	s22 =	sld [smem:$0x4];
	s4 =	sadd.s32 s1, s4  }
0xd8: {  	[tilespmem:s20], [sflag:$0x3] =	stream.strided.gather [hbm4b:s4+s15], $0x1000, s16, s15, $0x38;
	[tilespmem:$0x1D000] =	vst v63  }
0xd9: {  	s19 =	simm.s32 $0x3A00;
	s4 =	sand.u32 $0x1FFFFF80, s21  }
0xda: {  	s21 =	sld [smem:$0x5];
	s4 =	sadd.s32 s1, s4;
	s20 =	sshll.u32 s22, $0x7  }
0xdb: {  	[tilespmem:s19], [sflag:$0x4] =	stream.strided.gather [hbm4b:s4+s15], $0x1000, s16, s15, $0x38;
	[tilespmem:$0x1D000] =	vst v63  }
0xdc: {  	s22 =	simm.s32 $0x4A00;
	s4 =	sand.u32 $0x1FFFFF80, s20  }
0xdd: {  	s19 =	sld [smem:$0x6];
	s4 =	sadd.s32 s1, s4;
	s14 =	sshll.u32 s21, $0x7  }
0xde: {  	[tilespmem:s22], [sflag:$0x5] =	stream.strided.gather [hbm4b:s4+s15], $0x1000, s16, s15, $0x38;
	[tilespmem:$0x1D000] =	vst v63  }
0xdf: {  	s4 =	sand.u32 $0x1FFFFF80, s14  }
0xe0: {  	s21 =	sld [smem:$0x7];
	s4 =	sadd.s32 s1, s4;
	s20 =	sshll.u32 s19, $0x7  }
0xe1: {  	[tilespmem:s23], [sflag:$0x6] =	stream.strided.gather [hbm4b:s4+s15], $0x1000, s16, s15, $0x38;
	[tilespmem:$0x1D000] =	vst v63  }
0xe2: {  	s4 =	sand.u32 $0x1FFFFF80, s20  }
0xe3: {  	s22 =	sshll.u32 s21, $0x7;
	s4 =	sadd.s32 s1, s4  }
0xe4: {  	[tilespmem:s24], [sflag:$0x7] =	stream.strided.gather [hbm4b:s4+s15], $0x1000, s16, s15, $0x38;
	[tilespmem:$0x1D000] =	vst v63  }
0xe5: {  	s4 =	sand.u32 $0x1FFFFF80, s22  }
0xe6: {  	s4 =	sadd.s32 s1, s4  }
0xe7: {  	[tilespmem:s25], [sflag:$0x8] =	stream.strided.gather [hbm4b:s4+s15], $0x1000, s16, s15, $0x38;
	[tilespmem:$0x1D000] =	vst v63  }
0xe8: {  	_ =	swait.ge [sflag:s26], $0x80  }
0xe9: {  	[sflag:s26] =	ssyncset.done $0x0  }
0xea: {  	[sflag:s26] =	ssyncadd.s32 $0xFFFFFF80  }
0xeb: {  	_ =	swait.ge [sflag:s26], $0x80  }
0xec: {  	[sflag:s26] =	ssyncset.done $0x0  }
0xed: {  	[sflag:s26] =	ssyncadd.s32 $0xFFFFFF80  }
0xee: {  	_ =	swait.ge [sflag:s26], $0x4000  }
0xef: {  	[sflag:s26] =	ssyncset.done $0x0  }
0xf0: {  	[sflag:s26] =	ssyncadd.s32 $0xFFFFC000  }
0xf1: {  	_ =	swait.ge [sflag:s26], $0x80  }
0xf2: {  	[sflag:s26] =	ssyncset.done $0x0  }
0xf3: {  	[sflag:s26] =	ssyncadd.s32 $0xFFFFFF80  }
0xf4: {  	_ =	swait.ge [sflag:s26], $0x80  }
0xf5: {  	[sflag:s26] =	ssyncset.done $0x0  }
0xf6: {  	[sflag:s26] =	ssyncadd.s32 $0xFFFFFF80  }
0xf7: {  	_ =	swait.ge [sflag:s26], $0x4000  }
0xf8: {  	[sflag:s26] =	ssyncset.done $0x0  }
0xf9: {  	[sflag:s26] =	ssyncadd.s32 $0xFFFFC000  }
0xfa: {  	_ =	swait.ge [sflag:s26], $0x80  }
0xfb: {  	[sflag:s26] =	ssyncset.done $0x0  }
0xfc: {  	[sflag:s26] =	ssyncadd.s32 $0xFFFFFF80  }
0xfd: {  	_ =	swait.ge [sflag:s26], $0x80  }
0xfe: {  	[sflag:s26] =	ssyncset.done $0x0  }
0xff: {  	[sflag:s26] =	ssyncadd.s32 $0xFFFFFF80  }
0x100: {  	_ =	swait.ge [sflag:s26], $0x4000  }
0x101: {  	[sflag:s26] =	ssyncset.done $0x0  }
0x102: {  	[sflag:s26] =	ssyncadd.s32 $0xFFFFC000  }
0x103: {  	_ =	swait.ge [sflag:s26], $0x80  }
0x104: {  	[sflag:s26] =	ssyncset.done $0x0  }
0x105: {  	[sflag:s26] =	ssyncadd.s32 $0xFFFFFF80  }
0x106: {  	_ =	swait.ge [sflag:s26], $0x80  }
.Ltmp4:
0x107: {  	[sflag:s26] =	ssyncset.done $0x0;
	(pc) =	sbr.rel .LBB2_6-.Ltmp4, $4  }
0x108: {  	[sflag:s26] =	ssyncadd.s32 $0xFFFFFF80  }
0x109: {  	_ =	swait.ge [sflag:s26], $0x4000  }
0x10a: {  	[sflag:s26] =	ssyncset.done $0x0  }
0x10b: {  	s12 =	simm.s32 $0x8A10;
	s4 =	simm.s32 $0x8;
	[sflag:s26] =	ssyncadd.s32 $0xFFFFC000  }
.LBB2_8:
0x10c: {  	s31 =	sadd.s32 $0x1, s31  }
0x10d: {  	p0 =	sne.s32 s31, $0x200  }
.Ltmp5:
0x10e: {  	_ = 	snop;
	(pc) =	sbr.rel @!p0 .LBB2_9-.Ltmp5, $2  }
0x10f: {  	_ =	sdelay $0x2  }
0x110: {  	s4 =	sadd.s32 $0x1, s4;
	s0 =	sadd.s32 $0x1, s0;
	s12 =	sadd.s32 $0x20, s12  }
.LBB2_6:
0x111: {  	s14 =	sand.u32 $0x7, s31  }
0x112: {  	s19 =	sadd.s32 $0x1, s14  }
0x113: {  	_ =	swait.ge [sflag:s19], $0x1000  }
0x114: {  	[sflag:s19] =	ssyncset.done $0x0  }
0x115: {  	[sflag:s19] =	ssyncadd.s32 $0xFFFFF000  }
0x116: {  	s20 =	sld [smem:s0+$0x0];
	_ =	sdelay $0x2  }
0x117: {  	v3 =	vmov s20  }
0x118: {  	s21 =	sshll.u32 s14, $0xC;
	v4 =	vand.u32 $0xFFFFFF80, v3  }
0x119: {  	v3 =	vand.u32 $0x7F, v3;
	v4 =	vadd.s32 s21, v4  }
0x11a: {  	v3 =	vor.u32 v3, v4  }
0x11b: {  	v4 =	vadd.s32 v1, v3  }
0x11c: {  	v3 =	vadd.s32 v2, v3;
	_ =	sdelay $0x3  }
0x11d: {  	p0 =	sgt.u32 s31, $0x1F7;
	v4 =	vld.idx.msk [tilespmem:v4+s18+$0x0], $0xffff  }
0x11e: {  	s20 =	sld @!p0 [smem:s4+$0x0];
	v3 =	vld.idx.msk [tilespmem:v3+s18+$0x0], $0xffff;
	_ =	sdelay $0x2  }
0x11f: {  	s14 =	sshll.u32 @!p0 s14, $0xC;
	s20 =	sshll.u32 @!p0 s20, $0x7  }
0x120: {  	s22 =	simm.s32 @!p0 $0x7A1400;
	s20 =	sand.u32 @!p0 $0x1FFFFF80, s20;
	[tilespmem:s12+$0xFFFFFFF0] =	vst v4  }
0x121: {  	s14 =	sor.u32 @!p0 $0xA00, s14;
	s21 =	simm.s32 @!p0 $0x400;
	s20 =	sadd.s32 @!p0 s1, s20;
	[tilespmem:s12+$0x0] =	vst v3  }
0x122: {  	[tilespmem:s14], [sflag:s19] =	stream.strided.gather @!p0 [hbm4b:s20+s21], $0x1000, s22, s21, $0x38;
	[tilespmem:$0x1D000] =	vst v63  }
0x123: {  	s22 =	sand.u32 $0xF, s31  }
0x124: {  	p0 =	sne.s32 s22, $0xF  }
.Ltmp6:
0x125: {  	_ = 	snop;
	(pc) =	sbr.rel @p0 .LBB2_8-.Ltmp6, $1  }
0x126: {  	_ =	sdelay $0x3  }
0x127: {  	s14 =	sand.u32 $0x1F0, s31  }
0x128: {  	v3 =	vld [tilespmem:s14+$0x200];
	_ =	sdelay $0x4  }
0x129: {  	v5 =	vor.u32 s14, v0;
	v3 =	vshll.u32 v3, $0x5  }
0x12a: {  	v4 =	vshll.u32 v5, $0x5;
	v5 =	vshll.u32 v5, $0x7;
	v3 =	vand.u32 $0x60, v3  }
0x12b: {  	v3 =	vor.u32 v5, v3  }
0x12c: {  	v38 =	vor.u32 $0x1, v4  }
0x12d: {  	v6 =	vld [tilespmem:s14+$0x1CA00];
	v7 =	vor.u32 $0x1, v3  }
0x12e: {  	v8 =	vld [tilespmem:s14+$0x1CC00];
	v9 =	vor.u32 $0x2, v4  }
0x12f: {  	v10 =	vld.idx.msk [tilespmem:v4+s28+$0x0], $0xffff;
	v11 =	vor.u32 $0x2, v3  }
0x130: {  	v13 =	vor.u32 $0x3, v4;
	v12 =	vld.idx.msk [tilespmem:v3+s17+$0x0], $0xffff  }
0x131: {  	v5 =	vld.idx.msk [tilespmem:v38+s28+$0x0], $0xffff;
	v14 =	vor.u32 $0x3, v3  }
0x132: {  	v15 =	vor.u32 $0x4, v4;
	v7 =	vld.idx.msk [tilespmem:v7+s17+$0x0], $0xffff  }
0x133: {  	v9 =	vld.idx.msk [tilespmem:v9+s28+$0x0], $0xffff;
	v16 =	vor.u32 $0x4, v3  }
0x134: {  	v17 =	vor.u32 $0x5, v4;
	v11 =	vld.idx.msk [tilespmem:v11+s17+$0x0], $0xffff  }
0x135: {  	v6 =	vadd.f32 v8, v6;
	v40 =	vld.idx.msk [tilespmem:v13+s28+$0x0], $0xffff;
	v41 =	vor.u32 $0x5, v3;
	v39 =	vmul.f32 v12, v10  }
0x136: {  	v43 =	vor.u32 $0x6, v4;
	v42 =	vld.idx.msk [tilespmem:v14+s17+$0x0], $0xffff  }
0x137: {  	v44 =	vld.idx.msk [tilespmem:v15+s28+$0x0], $0xffff;
	v45 =	vor.u32 $0x6, v3;
	v5 =	vmul.f32 v7, v5;
	v6 =	vadd.f32 v39, v6  }
0x138: {  	v47 =	vor.u32 $0x7, v4;
	v46 =	vld.idx.msk [tilespmem:v16+s17+$0x0], $0xffff  }
0x139: {  	v49 =	vld.idx.msk [tilespmem:v17+s28+$0x0], $0xffff;
	v50 =	vor.u32 $0x7, v3;
	v48 =	vmul.f32 v11, v9;
	v5 =	vadd.f32 v5, v6  }
0x13a: {  	v51 =	vor.u32 $0x8, v4;
	v12 =	vld.idx.msk [tilespmem:v41+s17+$0x0], $0xffff  }
0x13b: {  	v53 =	vld.idx.msk [tilespmem:v43+s28+$0x0], $0xffff;
	v54 =	vor.u32 $0x8, v3;
	v52 =	vmul.f32 v42, v40;
	v5 =	vadd.f32 v48, v5  }
0x13c: {  	v55 =	vor.u32 $0x9, v4;
	v8 =	vld.idx.msk [tilespmem:v45+s17+$0x0], $0xffff  }
0x13d: {  	v57 =	vld.idx.msk [tilespmem:v47+s28+$0x0], $0xffff;
	v58 =	vor.u32 $0x9, v3;
	v56 =	vmul.f32 v46, v44;
	v5 =	vadd.f32 v52, v5  }
0x13e: {  	v59 =	vor.u32 $0xA, v4;
	v11 =	vld.idx.msk [tilespmem:v50+s17+$0x0], $0xffff  }
0x13f: {  	v61 =	vld.idx.msk [tilespmem:v51+s28+$0x0], $0xffff;
	v62 =	vor.u32 $0xA, v3;
	v60 =	vmul.f32 v12, v49;
	v5 =	vadd.f32 v56, v5  }
0x140: {  	v63 =	vor.u32 $0xB, v4;
	v13 =	vld.idx.msk [tilespmem:v54+s17+$0x0], $0xffff  }
0x141: {  	v20 =	vld.idx.msk [tilespmem:v55+s28+$0x0], $0xffff;
	v21 =	vor.u32 $0xB, v3;
	v19 =	vmul.f32 v8, v53;
	v5 =	vadd.f32 v60, v5  }
0x142: {  	v23 =	vor.u32 $0xC, v4;
	v22 =	vld.idx.msk [tilespmem:v58+s17+$0x0], $0xffff  }
0x143: {  	v25 =	vld.idx.msk [tilespmem:v59+s28+$0x0], $0xffff;
	v26 =	vor.u32 $0xC, v3;
	v24 =	vmul.f32 v11, v57;
	v5 =	vadd.f32 v19, v5  }
0x144: {  	v27 =	vor.u32 $0xD, v4;
	v12 =	vld.idx.msk [tilespmem:v62+s17+$0x0], $0xffff  }
0x145: {  	v29 =	vld.idx.msk [tilespmem:v63+s28+$0x0], $0xffff;
	v30 =	vor.u32 $0xD, v3;
	v28 =	vmul.f32 v13, v61;
	v5 =	vadd.f32 v24, v5  }
0x146: {  	v34 =	vor.u32 $0xE, v3;
	v10 =	vld.idx.msk [tilespmem:v21+s17+$0x0], $0xffff  }
0x147: {  	v31 =	vor.u32 $0xE, v4;
	v33 =	vld.idx.msk [tilespmem:v23+s28+$0x0], $0xffff;
	v32 =	vmul.f32 v22, v20;
	v5 =	vadd.f32 v28, v5  }
0x148: {  	v35 =	vor.u32 $0xF, v4;
	v11 =	vld.idx.msk [tilespmem:v26+s17+$0x0], $0xffff  }
0x149: {  	v37 =	vld.idx.msk [tilespmem:v27+s28+$0x0], $0xffff;
	v38 =	vor.u32 $0xF, v3;
	v36 =	vmul.f32 v12, v25;
	v5 =	vadd.f32 v32, v5  }
0x14a: {  	v13 =	vld.idx.msk [tilespmem:v30+s17+$0x0], $0xffff;
	v42 =	vor.u32 $0x10, v3  }
0x14b: {  	v14 =	vld.idx.msk [tilespmem:v34+s17+$0x0], $0xffff;
	v39 =	vor.u32 $0x10, v4;
	v40 =	vmul.f32 v10, v29;
	v5 =	vadd.f32 v36, v5  }
0x14c: {  	v43 =	vor.u32 $0x11, v4;
	v41 =	vld.idx.msk [tilespmem:v31+s28+$0x0], $0xffff  }
0x14d: {  	v45 =	vld.idx.msk [tilespmem:v35+s28+$0x0], $0xffff;
	v46 =	vor.u32 $0x11, v3;
	v44 =	vmul.f32 v11, v33;
	v5 =	vadd.f32 v40, v5  }
0x14e: {  	v47 =	vor.u32 $0x12, v4;
	v12 =	vld.idx.msk [tilespmem:v38+s17+$0x0], $0xffff  }
0x14f: {  	v50 =	vor.u32 $0x12, v3;
	v48 =	vmul.f32 v13, v37;
	v10 =	vld.idx.msk [tilespmem:v42+s17+$0x0], $0xffff;
	v5 =	vadd.f32 v44, v5  }
0x150: {  	v51 =	vor.u32 $0x13, v4;
	v49 =	vld.idx.msk [tilespmem:v39+s28+$0x0], $0xffff  }
0x151: {  	v54 =	vor.u32 $0x13, v3;
	v53 =	vld.idx.msk [tilespmem:v43+s28+$0x0], $0xffff;
	v52 =	vmul.f32 v14, v41;
	v5 =	vadd.f32 v48, v5  }
0x152: {  	v55 =	vor.u32 $0x14, v4;
	v11 =	vld.idx.msk [tilespmem:v46+s17+$0x0], $0xffff  }
0x153: {  	v58 =	vor.u32 $0x14, v3;
	v57 =	vld.idx.msk [tilespmem:v47+s28+$0x0], $0xffff;
	v56 =	vmul.f32 v12, v45;
	v5 =	vadd.f32 v52, v5  }
0x154: {  	v59 =	vor.u32 $0x15, v4;
	v13 =	vld.idx.msk [tilespmem:v50+s17+$0x0], $0xffff  }
0x155: {  	v61 =	vld.idx.msk [tilespmem:v51+s28+$0x0], $0xffff;
	v62 =	vor.u32 $0x15, v3;
	v60 =	vmul.f32 v10, v49;
	v5 =	vadd.f32 v56, v5  }
0x156: {  	v63 =	vor.u32 $0x16, v4;
	v14 =	vld.idx.msk [tilespmem:v54+s17+$0x0], $0xffff  }
0x157: {  	v21 =	vld.idx.msk [tilespmem:v55+s28+$0x0], $0xffff;
	v22 =	vor.u32 $0x16, v3;
	v20 =	vmul.f32 v11, v53;
	v5 =	vadd.f32 v60, v5  }
0x158: {  	v23 =	vor.u32 $0x17, v4;
	v12 =	vld.idx.msk [tilespmem:v58+s17+$0x0], $0xffff  }
0x159: {  	v26 =	vor.u32 $0x17, v3;
	v25 =	vld.idx.msk [tilespmem:v59+s28+$0x0], $0xffff;
	v24 =	vmul.f32 v13, v57;
	v5 =	vadd.f32 v20, v5  }
0x15a: {  	v27 =	vor.u32 $0x18, v4;
	v10 =	vld.idx.msk [tilespmem:v62+s17+$0x0], $0xffff  }
0x15b: {  	v30 =	vor.u32 $0x18, v3;
	v29 =	vld.idx.msk [tilespmem:v63+s28+$0x0], $0xffff;
	v28 =	vmul.f32 v14, v61;
	v5 =	vadd.f32 v24, v5  }
0x15c: {  	v31 =	vor.u32 $0x19, v4;
	v11 =	vld.idx.msk [tilespmem:v22+s17+$0x0], $0xffff  }
0x15d: {  	v34 =	vor.u32 $0x19, v3;
	v33 =	vld.idx.msk [tilespmem:v23+s28+$0x0], $0xffff;
	v32 =	vmul.f32 v12, v21;
	v5 =	vadd.f32 v28, v5  }
0x15e: {  	v35 =	vor.u32 $0x1A, v4;
	v13 =	vld.idx.msk [tilespmem:v26+s17+$0x0], $0xffff  }
0x15f: {  	v37 =	vld.idx.msk [tilespmem:v27+s28+$0x0], $0xffff;
	v38 =	vor.u32 $0x1A, v3;
	v36 =	vmul.f32 v10, v25;
	v5 =	vadd.f32 v32, v5  }
0x160: {  	v39 =	vor.u32 $0x1B, v4;
	v14 =	vld.idx.msk [tilespmem:v30+s17+$0x0], $0xffff  }
0x161: {  	v42 =	vor.u32 $0x1B, v3;
	v41 =	vld.idx.msk [tilespmem:v31+s28+$0x0], $0xffff;
	v40 =	vmul.f32 v11, v29;
	v5 =	vadd.f32 v36, v5  }
0x162: {  	v43 =	vor.u32 $0x1C, v4;
	v12 =	vld.idx.msk [tilespmem:v34+s17+$0x0], $0xffff  }
0x163: {  	v46 =	vor.u32 $0x1C, v3;
	v45 =	vld.idx.msk [tilespmem:v35+s28+$0x0], $0xffff;
	v44 =	vmul.f32 v13, v33;
	v5 =	vadd.f32 v40, v5  }
0x164: {  	v50 =	vor.u32 $0x1D, v3;
	v10 =	vld.idx.msk [tilespmem:v38+s17+$0x0], $0xffff  }
0x165: {  	v47 =	vor.u32 $0x1D, v4;
	v49 =	vld.idx.msk [tilespmem:v39+s28+$0x0], $0xffff;
	v48 =	vmul.f32 v14, v37;
	v5 =	vadd.f32 v44, v5  }
0x166: {  	v51 =	vor.u32 $0x1E, v4;
	v11 =	vld.idx.msk [tilespmem:v42+s17+$0x0], $0xffff  }
0x167: {  	v54 =	vor.u32 $0x1E, v3;
	v53 =	vld.idx.msk [tilespmem:v43+s28+$0x0], $0xffff;
	v52 =	vmul.f32 v12, v41;
	v5 =	vadd.f32 v48, v5  }
0x168: {  	v4 =	vor.u32 $0x1F, v4;
	v13 =	vld.idx.msk [tilespmem:v46+s17+$0x0], $0xffff  }
0x169: {  	v3 =	vor.u32 $0x1F, v3;
	v57 =	vld.idx.msk [tilespmem:v50+s17+$0x0], $0xffff;
	v55 =	vmul.f32 v10, v45;
	v5 =	vadd.f32 v52, v5  }
0x16a: {  	v56 =	vld.idx.msk [tilespmem:v47+s28+$0x0], $0xffff  }
0x16b: {  	v59 =	vld.idx.msk [tilespmem:v51+s28+$0x0], $0xffff;
	v58 =	vmul.f32 v11, v49;
	v5 =	vadd.f32 v55, v5  }
0x16c: {  	v60 =	vld.idx.msk [tilespmem:v54+s17+$0x0], $0xffff  }
0x16d: {  	v4 =	vld.idx.msk [tilespmem:v4+s28+$0x0], $0xffff;
	v61 =	vmul.f32 v13, v53;
	v5 =	vadd.f32 v58, v5  }
0x16e: {  	v3 =	vld.idx.msk [tilespmem:v3+s17+$0x0], $0xffff  }
0x16f: {  	v62 =	vmul.f32 v57, v56;
	v5 =	vadd.f32 v61, v5;
	_ =	sdelay $0x1  }
0x170: {  	v63 =	vmul.f32 v60, v59;
	v5 =	vadd.f32 v62, v5;
	_ =	sdelay $0x1  }
0x171: {  	v3 =	vmul.f32 v3, v4;
	v5 =	vadd.f32 v63, v5;
	_ =	sdelay $0x1  }
0x172: {  	v3 =	vadd.f32 v3, v5;
	_ =	sdelay $0x1  }
0x173: {  	v3 =	vsub.f32 $0.0e+00, v3;
	_ =	sdelay $0x1  }
0x174: {  	v3 =	vmul.f32 $1.442695020e+00, v3;
	_ =	sdelay $0x1  }
0x175: {  	(erf) = vpow2.f32 v3;
	_ =	sdelay $0x8  }
0x176: {  	v3 =	vpop (erf)  }
0x177: {  	v3 =	vadd.f32 $1.000000000e+00, v3;
	_ =	sdelay $0x1  }
0x178: {  	(erf) = vrcp.f32 v3;
	_ =	sdelay $0x8  }
0x179: {  	v3 =	vpop (erf)  }
.Ltmp7:
0x17a: {  	v3 =	vmul.f32 $4.000000000e+00, v3;
	(pc) =	sbr.rel .LBB2_8-.Ltmp7, $3  }
0x17b: {  	_ = 	snop  }
0x17c: {  	v3 =	vadd.f32 $1.000000000e+00, v3;
	_ =	sdelay $0x1  }
0x17d: {  	[tilespmem:s14+$0x1CE00] =	vst v3  }
.LBB2_10:
0x17e: {  	_ =	sfence.sel $0x180000  }
0x17f: {  	[bflag:$0x0] =	sbarrier.arrive $0xFFFF  }
0x180: {  	_ =	strace $0x90000047  }
0x181: {  	s0 =	stileid.u32;
	[bflag:$0x2] =	sbarrier.arrive $0xFFFF  }
0x182: {  	p0 =	sne.s32 s0, $0x0;
	s0 =	rddreg [dreg:$0x5]  }
0x183: {  	s0 =	sadd.s32 @!p0 $0x100000, s0  }
0x184: {  	[sflag:s0] =	ssyncadd.tile.s32 @!p0 $0x1;
	_ =	shalt  }
.Lfunc_end2:
_tile_overlayer_lowered:
.L_overlay_start_2:
0x185: {  	(tag) =	ssettag $0x2  }
0x186: {  	s0 =	rddreg [dreg:$0x0];
	s2 =	stileid.u32  }
0x187: {  	s1 =	rddreg [dreg:$0x1];
	p0 =	sne.s32 s2, $0x0  }
0x188: {  	s3 =	rddreg [dreg:$0x2];
	[bflag:$0x3] =	sbarrier.arrive $0xFFFF;
	s2 =	simm.s32 @!p0 $0x1C0A  }
0x189: {  	[timem:s3], [sflag:s2] =	dma.local @!p0 [hbm:s0], s1  }
0x18a: {  	s0 =	simm.s32 @!p0 $0xA  }
0x18b: {  	_ =	swait.ge @!p0 [sflag:s0], s1  }
0x18c: {  	s1 =	ssub.s32 @!p0 $0x0, s1;
	[sflag:s0] =	ssyncset.done @!p0 $0x0  }
0x18d: {  	[sflag:s0] =	ssyncadd.s32 @!p0 s1  }
0x18e: {  	[bflag:$0x3] =	sbarrier.arrive $0xFFFF  }
0x18f: {  	_ =	shalt  }

</sc_bundles>
